<compile_context>
chip_gen: v7x
topology: tpu7x:2x2x1
jax: 0.10.2.dev20260603
libtpu: 0.0.44.dev20260713+nightly
codegen_flags: <defaults>
</compile_context>

<pallas_src>
import functools

import jax
import jax.numpy as jnp
from jax import lax
from jax.experimental import pallas as pl
from jax.experimental.pallas import tpu as pltpu
from jax.experimental.pallas import tpu_sc as plsc

N = 10000
E = 320000
D_IN = 128
D_H = 64
D_OUT = 32

NC, NS = 2, 16
NW = NC * NS
MC = 128
KPW = 80
NCHUNKS = NW * KPW
KPW0 = 2 * KPW
NCHUNKS_PAD = NCHUNKS
EPAD = NCHUNKS_PAD * MC
ROWS_PT = 632
NPAD = NS * ROWS_PT
NBUF = 4

_MESH = dict(core_axis_name="c", subcore_axis_name="s", num_cores=NC,
             num_subcores=NS)


def _sc_agg_l1():
    scratch = [
        pltpu.VMEM((KPW0, MC), jnp.int32),
        pltpu.VMEM((KPW0, MC), jnp.int32),
        pltpu.VMEM((NBUF, MC, D_H), jnp.float32),
        pltpu.VMEM((MC,), jnp.float32),
        pltpu.VMEM((ROWS_PT,), jnp.float32),
        pltpu.VMEM_SHARED((NPAD, D_H), jnp.float32),
        pltpu.VMEM_SHARED((NPAD,), jnp.float32),
        [pltpu.SemaphoreType.DMA] * NBUF,
    ]
    out_type = (jax.ShapeDtypeStruct((NPAD, D_H), jnp.float32),
                jax.ShapeDtypeStruct((NS, ROWS_PT), jnp.float32))

    @functools.partial(
        pl.kernel, out_type=out_type,
        mesh=plsc.VectorSubcoreMesh(**_MESH), scratch_types=scratch,
        compiler_params=pltpu.CompilerParams(use_tc_tiling_on_sc=False))
    def k(src_h, dst_h, y_h, z2_h, agg_h, deg_h,
          srcv, dstv, rows, ones, dtmp, acc, dacc, sems):
        c = lax.axis_index("c")
        s = lax.axis_index("s")
        lo = s * ROWS_PT
        base = s * KPW0

        @pl.when(c == 0)
        def _():
            pltpu.sync_copy(z2_h.at[pl.ds(lo, ROWS_PT)],
                            acc.at[pl.ds(lo, ROWS_PT)])
            for i in range(ROWS_PT // 16):
                dtmp[pl.ds(i * 16, 16)] = jnp.zeros((16,), jnp.float32)
            dtmp[pl.ds(ROWS_PT - 16, 16)] = jnp.zeros((16,), jnp.float32)
            pltpu.sync_copy(dtmp, dacc.at[pl.ds(lo, ROWS_PT)])
            pltpu.sync_copy(src_h.at[pl.ds(base, KPW0)], srcv)
            pltpu.sync_copy(dst_h.at[pl.ds(base, KPW0)], dstv)
            for i in range(MC // 16):
                ones[pl.ds(i * 16, 16)] = jnp.ones((16,), jnp.float32)

        plsc.subcore_barrier()

        @pl.when(c == 0)
        def _():
            for b in range(NBUF):
                pltpu.async_copy(y_h.at[srcv.at[b]], rows.at[b], sems[b])

            def group(g, carry):
                for b in range(NBUF):
                    j = g * NBUF + b
                    pltpu.make_async_copy(y_h.at[pl.ds(0, MC)], rows.at[b],
                                          sems[b]).wait()
                    pltpu.sync_copy(rows.at[b], acc.at[dstv.at[j]], add=True)
                    pltpu.sync_copy(ones, dacc.at[dstv.at[j]], add=True)

                    @pl.when(j + NBUF < KPW0)
                    def _():
                        pltpu.async_copy(y_h.at[srcv.at[j + NBUF]],
                                         rows.at[b], sems[b])
                return carry

            lax.fori_loop(0, KPW0 // NBUF, group, 0)

        plsc.subcore_barrier()

        @pl.when(c == 0)
        def _():
            pltpu.sync_copy(acc.at[pl.ds(lo, ROWS_PT)],
                            agg_h.at[pl.ds(lo, ROWS_PT)])
            pltpu.sync_copy(dacc.at[pl.ds(lo, ROWS_PT)], dtmp)
            pltpu.sync_copy(dtmp, deg_h.at[s])

    return k


def _sc_agg_l2():
    scratch = [
        pltpu.VMEM((KPW, MC), jnp.int32),
        pltpu.VMEM((KPW, MC), jnp.int32),
        pltpu.VMEM((NBUF, MC, D_OUT), jnp.float32),
        pltpu.VMEM_SHARED((NPAD, D_OUT), jnp.float32),
        pltpu.VMEM_SHARED((N, D_OUT), jnp.float32),
        [pltpu.SemaphoreType.DMA] * NBUF,
    ]
    out_type = jax.ShapeDtypeStruct((NC, NPAD, D_OUT), jnp.float32)

    @functools.partial(
        pl.kernel, out_type=out_type,
        mesh=plsc.VectorSubcoreMesh(**_MESH), scratch_types=scratch,
        compiler_params=pltpu.CompilerParams(use_tc_tiling_on_sc=False))
    def k(src_h, dst_h, y_h, z2_h, agg_h, srcv, dstv, rows, acc, y_s, sems):
        c = lax.axis_index("c")
        s = lax.axis_index("s")
        w = c * NS + s
        lo = s * ROWS_PT
        yl = s * (N // NS)
        pltpu.sync_copy(z2_h.at[pl.ds(lo, ROWS_PT)], acc.at[pl.ds(lo, ROWS_PT)])
        pltpu.sync_copy(y_h.at[pl.ds(yl, N // NS)], y_s.at[pl.ds(yl, N // NS)])
        pltpu.sync_copy(src_h.at[pl.ds(w * KPW, KPW)], srcv)
        pltpu.sync_copy(dst_h.at[pl.ds(w * KPW, KPW)], dstv)
        plsc.subcore_barrier()

        for b in range(NBUF):
            pltpu.async_copy(y_s.at[srcv.at[b]], rows.at[b], sems[b])

        def group(g, carry):
            for b in range(NBUF):
                j = g * NBUF + b
                pltpu.make_async_copy(y_s.at[pl.ds(0, MC)], rows.at[b],
                                      sems[b]).wait()
                pltpu.sync_copy(rows.at[b], acc.at[dstv.at[j]], add=True)

                @pl.when(j + NBUF < KPW)
                def _():
                    pltpu.async_copy(y_s.at[srcv.at[j + NBUF]], rows.at[b],
                                     sems[b])
            return carry

        lax.fori_loop(0, KPW // NBUF, group, 0)
        plsc.subcore_barrier()
        pltpu.sync_copy(acc.at[pl.ds(lo, ROWS_PT)],
                        agg_h.at[c, pl.ds(lo, ROWS_PT)])

    return k


_DN = (((1,), (1,)), ((), ()))


def _mm1_body(x_ref, wl_ref, wr_ref, y_ref, r_ref):
    xb = x_ref[...]
    y_ref[...] = lax.dot_general(xb, wl_ref[...], _DN,
                                 preferred_element_type=jnp.float32)
    r_ref[...] = lax.dot_general(xb, wr_ref[...], _DN,
                                 preferred_element_type=jnp.float32)


def _comb1_body(a0, d0, xr, wl2, wr2, bl1, y2_ref, hr_ref):
    iv = 1.0 / jnp.maximum(d0[...], 1.0)
    h = a0[...] * iv + bl1[...] + xr[...]
    h = jnp.maximum(h, 0.0)
    y2_ref[...] = lax.dot_general(h, wl2[...], _DN,
                                  preferred_element_type=jnp.float32)
    hr_ref[...] = lax.dot_general(h, wr2[...], _DN,
                                  preferred_element_type=jnp.float32)


def _comb2_body(a0, a1, d0, hr, bl2, out_ref):
    iv = 1.0 / jnp.maximum(d0[...], 1.0)
    out_ref[...] = (a0[...][0] + a1[...][0]) * iv + bl2[...] + hr[...]


_RB = 2000


def _row_spec(d):
    return pl.BlockSpec((_RB, d), lambda i: (i, 0))


def _plane_spec(p, d):
    return pl.BlockSpec((1, _RB, d), lambda i, _p=p: (_p, i, 0))


def _full_spec(shape):
    nd = len(shape)
    return pl.BlockSpec(shape, lambda i, _n=nd: (0,) * _n)


def kernel(x, edge_index, W_l1, b_l1, W_r1, W_l2, b_l2, W_r2):
    pad = EPAD - E
    srcp = jnp.concatenate(
        [edge_index[0], jnp.zeros((pad,), jnp.int32)]).reshape(NCHUNKS_PAD, MC)
    dstp = jnp.concatenate(
        [edge_index[1], jnp.full((pad,), N, jnp.int32)]).reshape(NCHUNKS_PAD, MC)
    z2 = jnp.zeros((NPAD, D_H), jnp.float32)
    z2b = jnp.zeros((NPAD, D_OUT), jnp.float32)

    y1, xr1 = pl.pallas_call(
        _mm1_body,
        grid=(N // _RB,),
        in_specs=[_row_spec(D_IN), _full_spec((D_H, D_IN)),
                  _full_spec((D_H, D_IN))],
        out_specs=[_row_spec(D_H), _row_spec(D_H)],
        out_shape=[jax.ShapeDtypeStruct((N, D_H), jnp.float32)] * 2,
    )(x, W_l1, W_r1)

    agg1, deg_rows = _sc_agg_l1()(srcp, dstp, y1, z2)
    d0 = deg_rows.reshape(NPAD)[:N, None]

    y2, hr2 = pl.pallas_call(
        _comb1_body,
        grid=(N // _RB,),
        in_specs=[_row_spec(D_H),
                  pl.BlockSpec((_RB, 1), lambda i: (i, 0)),
                  _row_spec(D_H), _full_spec((D_OUT, D_H)),
                  _full_spec((D_OUT, D_H)), _full_spec((1, D_H))],
        out_specs=[_row_spec(D_OUT), _row_spec(D_OUT)],
        out_shape=[jax.ShapeDtypeStruct((N, D_OUT), jnp.float32)] * 2,
    )(agg1, d0, xr1, W_l2, W_r2, b_l1.reshape(1, D_H))

    agg2 = _sc_agg_l2()(srcp, dstp, y2, z2b)

    out = pl.pallas_call(
        _comb2_body,
        grid=(N // _RB,),
        in_specs=[_plane_spec(0, D_OUT), _plane_spec(1, D_OUT),
                  pl.BlockSpec((_RB, 1), lambda i: (i, 0)),
                  _row_spec(D_OUT), _full_spec((1, D_OUT))],
        out_specs=_row_spec(D_OUT),
        out_shape=jax.ShapeDtypeStruct((N, D_OUT), jnp.float32),
    )(agg2, agg2, d0, hr2, b_l2.reshape(1, D_OUT))

    return out

# --- scband reference (transcript-rebuilt; emitter-appended) ---
"""Pipeline reference for scband-graph-sagemodel-55714315763893 (READ-ONLY COPY).

The authoritative reference and input builder live on the scoring server;
editing this copy changes nothing except your own understanding.
"""

import jax, jax.numpy as jnp
import numpy as np

N = 10000
E = 320000
D_IN = 128
D_H = 64
D_OUT = 32


def setup_inputs(seed: int = 0) -> dict:
    key = jax.random.key(seed)
    ks = jax.random.split(key, 8)
    x = jax.random.normal(ks[0], (N, D_IN), dtype=jnp.float32)
    edge_index = jax.random.randint(ks[1], (2, E), 0, N, dtype=jnp.int32)
    # SAGEConv layer 1: lin_l (neighbor agg, with bias), lin_r (root, no bias)
    W_l1 = jax.random.normal(ks[2], (D_H, D_IN), dtype=jnp.float32) / np.sqrt(D_IN)
    b_l1 = jnp.zeros((D_H,), dtype=jnp.float32)
    W_r1 = jax.random.normal(ks[3], (D_H, D_IN), dtype=jnp.float32) / np.sqrt(D_IN)
    # SAGEConv layer 2
    W_l2 = jax.random.normal(ks[4], (D_OUT, D_H), dtype=jnp.float32) / np.sqrt(D_H)
    b_l2 = jnp.zeros((D_OUT,), dtype=jnp.float32)
    W_r2 = jax.random.normal(ks[5], (D_OUT, D_H), dtype=jnp.float32) / np.sqrt(D_H)
    return {
        "x": x,
        "edge_index": edge_index,
        "W_l1": W_l1,
        "b_l1": b_l1,
        "W_r1": W_r1,
        "W_l2": W_l2,
        "b_l2": b_l2,
        "W_r2": W_r2,
    }


def _sage_conv(h, edge_index, W_l, b_l, W_r, num_nodes):
    src = edge_index[0]
    dst = edge_index[1]
    msg = jnp.take(h, src, axis=0)                     # gather source features
    agg = jax.ops.segment_sum(msg, dst, num_segments=num_nodes)  # scatter-add at dst
    deg = jax.ops.segment_sum(jnp.ones((msg.shape[0],), dtype=h.dtype), dst, num_segments=num_nodes)
    agg = agg / jnp.maximum(deg, 1.0)[:, None]          # mean aggregation
    return agg @ W_l.T + b_l + h @ W_r.T


def reference(x, edge_index, W_l1, b_l1, W_r1, W_l2, b_l2, W_r2):
    # Layer 1 + ReLU (dropout is identity in eval mode)
    h = _sage_conv(x, edge_index, W_l1, b_l1, W_r1, N)
    h = jax.nn.relu(h)
    # Layer 2 (final layer: no activation)
    h = _sage_conv(h, edge_index, W_l2, b_l2, W_r2, N)
    return h

if __name__ == "__main__":
    import jax
    _d = setup_inputs()
    print(jax.jit(kernel)(*tuple(_d.values())))

</pallas_src>

<mosaic_0001>
#map = affine_map<(d0, d1) -> (0, 0)>
module attributes {stable_mosaic.version = 14 : i64} {
  func.func @k(%arg0: i32, %arg1: i32, %arg2: memref<2560x128xi32, #tpu.memory_space<hbm>>, %arg3: memref<2560x128xi32, #tpu.memory_space<hbm>>, %arg4: memref<10000x64xf32, #tpu.memory_space<hbm>>, %arg5: memref<10112x64xf32, #tpu.memory_space<hbm>>, %arg6: memref<10112x64xf32, #tpu.memory_space<hbm>>, %arg7: memref<16x632xf32, #tpu.memory_space<hbm>>, %arg8: memref<160x128xi32, #tpu.memory_space<vmem>>, %arg9: memref<160x128xi32, #tpu.memory_space<vmem>>, %arg10: memref<4x128x64xf32, #tpu.memory_space<vmem>>, %arg11: memref<128xf32, #tpu.memory_space<vmem>>, %arg12: memref<632xf32, #tpu.memory_space<vmem>>, %arg13: memref<10112x64xf32, #tpu.memory_space<vmem_shared>>, %arg14: memref<10112xf32, #tpu.memory_space<vmem_shared>>, %arg15: memref<!tpu.dma_semaphore, #tpu.memory_space<semaphore_mem>>, %arg16: memref<!tpu.dma_semaphore, #tpu.memory_space<semaphore_mem>>, %arg17: memref<!tpu.dma_semaphore, #tpu.memory_space<semaphore_mem>>, %arg18: memref<!tpu.dma_semaphore, #tpu.memory_space<semaphore_mem>>) attributes {dimension_semantics = [#tpu.dimension_semantics<core_parallel>, #tpu.dimension_semantics<subcore_parallel>], iteration_bounds = array<i64: 2, 16>, scalar_prefetch = 0 : i64, scratch_operands = 11 : i64, tpu.core_type = #tpu.core_type<sc_vector_subcore>, window_params = [{transform_indices = #map}, {transform_indices = #map}, {transform_indices = #map}, {transform_indices = #map}, {transform_indices = #map}, {transform_indices = #map}]} {
    %mul3A = arith.constant 632 : i32
    %mul3A_0 = arith.muli %arg1, %mul3A : i32
    %mul3A_1 = arith.constant 160 : i32
    %mul3A_2 = arith.muli %arg1, %mul3A_1 : i32
    %eq3A = arith.constant 0 : i32
    %eq3A_3 = arith.cmpi eq, %arg0, %eq3A : i32
    %convert_element_type3A = arith.extui %eq3A_3 : i1 to i32
    %cond3A = arith.constant 0 : i32
    %cond3A_4 = arith.cmpi ne, %convert_element_type3A, %cond3A : i32
    scf.if %cond3A_4 {
      "tpu.region"() ({
        %run_scoped3A = tpu.sem_alloc : memref<!tpu.dma_semaphore, #tpu.memory_space<semaphore_mem>>
        %dma_start3A = arith.constant 0 : i32
        %dma_start3A_302 = tpu.memref_slice %arg13[%mul3A_0, %dma_start3A] : memref<10112x64xf32, #tpu.memory_space<vmem_shared>> -> memref<632x64xf32, #tpu.memory_space<vmem_shared>>
        %dma_start3A_303 = arith.constant 0 : i32
        %dma_start3A_304 = tpu.memref_slice %arg5[%mul3A_0, %dma_start3A_303] : memref<10112x64xf32, #tpu.memory_space<hbm>> -> memref<632x64xf32, #tpu.memory_space<hbm>>
        tpu.enqueue_dma source(%dma_start3A_304 : memref<632x64xf32, #tpu.memory_space<hbm>>) target(%dma_start3A_302 : memref<632x64xf32, #tpu.memory_space<vmem_shared>>) target_semaphore(%run_scoped3A : memref<!tpu.dma_semaphore, #tpu.memory_space<semaphore_mem>>)
        %dma_wait3A = arith.constant 0 : i32
        %dma_wait3A_305 = tpu.memref_slice %arg13[%mul3A_0, %dma_wait3A] : memref<10112x64xf32, #tpu.memory_space<vmem_shared>> -> memref<632x64xf32, #tpu.memory_space<vmem_shared>>
        %dma_wait3A_306 = arith.constant 0 : i32
        %dma_wait3A_307 = tpu.memref_slice %arg5[%mul3A_0, %dma_wait3A_306] : memref<10112x64xf32, #tpu.memory_space<hbm>> -> memref<632x64xf32, #tpu.memory_space<hbm>>
        tpu.wait_dma2 semaphore(%run_scoped3A : memref<!tpu.dma_semaphore, #tpu.memory_space<semaphore_mem>>) src(%dma_wait3A_307 : memref<632x64xf32, #tpu.memory_space<hbm>>) dst(%dma_wait3A_305 : memref<632x64xf32, #tpu.memory_space<vmem_shared>>)
        tpu.yield
      }) : () -> ()
      %broadcast_in_dim3A = arith.constant 0.000000e+00 : f32
      %broadcast_in_dim3A_16 = vector.broadcast %broadcast_in_dim3A : f32 to vector<16xf32>
      %swap3A = arith.constant 0 : index
      %swap3A_17 = tpu.vector_load %arg12[%swap3A] {strides = array<i32>} : memref<632xf32, #tpu.memory_space<vmem>>, vector<16xf32>,
      %swap3A_18 = vector.shape_cast %swap3A_17 : vector<16xf32> to vector<16xf32>
      %swap3A_19 = vector.shape_cast %broadcast_in_dim3A_16 : vector<16xf32> to vector<16xf32>
      tpu.vector_store %arg12[%swap3A], %swap3A_19 {strides = array<i32>} : memref<632xf32, #tpu.memory_space<vmem>>, vector<16xf32>,
      %broadcast_in_dim3A_20 = arith.constant 0.000000e+00 : f32
      %broadcast_in_dim3A_21 = vector.broadcast %broadcast_in_dim3A_20 : f32 to vector<16xf32>
      %swap3A_22 = arith.constant 16 : index
      %swap3A_23 = tpu.vector_load %arg12[%swap3A_22] {strides = array<i32>} : memref<632xf32, #tpu.memory_space<vmem>>, vector<16xf32>,
      %swap3A_24 = vector.shape_cast %swap3A_23 : vector<16xf32> to vector<16xf32>
      %swap3A_25 = vector.shape_cast %broadcast_in_dim3A_21 : vector<16xf32> to vector<16xf32>
      tpu.vector_store %arg12[%swap3A_22], %swap3A_25 {strides = array<i32>} : memref<632xf32, #tpu.memory_space<vmem>>, vector<16xf32>,
      %broadcast_in_dim3A_26 = arith.constant 0.000000e+00 : f32
      %broadcast_in_dim3A_27 = vector.broadcast %broadcast_in_dim3A_26 : f32 to vector<16xf32>
      %swap3A_28 = arith.constant 32 : index
      %swap3A_29 = tpu.vector_load %arg12[%swap3A_28] {strides = array<i32>} : memref<632xf32, #tpu.memory_space<vmem>>, vector<16xf32>,
      %swap3A_30 = vector.shape_cast %swap3A_29 : vector<16xf32> to vector<16xf32>
      %swap3A_31 = vector.shape_cast %broadcast_in_dim3A_27 : vector<16xf32> to vector<16xf32>
      tpu.vector_store %arg12[%swap3A_28], %swap3A_31 {strides = array<i32>} : memref<632xf32, #tpu.memory_space<vmem>>, vector<16xf32>,
      %broadcast_in_dim3A_32 = arith.constant 0.000000e+00 : f32
      %broadcast_in_dim3A_33 = vector.broadcast %broadcast_in_dim3A_32 : f32 to vector<16xf32>
      %swap3A_34 = arith.constant 48 : index
      %swap3A_35 = tpu.vector_load %arg12[%swap3A_34] {strides = array<i32>} : memref<632xf32, #tpu.memory_space<vmem>>, vector<16xf32>,
      %swap3A_36 = vector.shape_cast %swap3A_35 : vector<16xf32> to vector<16xf32>
      %swap3A_37 = vector.shape_cast %broadcast_in_dim3A_33 : vector<16xf32> to vector<16xf32>
      tpu.vector_store %arg12[%swap3A_34], %swap3A_37 {strides = array<i32>} : memref<632xf32, #tpu.memory_space<vmem>>, vector<16xf32>,
      %broadcast_in_dim3A_38 = arith.constant 0.000000e+00 : f32
      %broadcast_in_dim3A_39 = vector.broadcast %broadcast_in_dim3A_38 : f32 to vector<16xf32>
      %swap3A_40 = arith.constant 64 : index
      %swap3A_41 = tpu.vector_load %arg12[%swap3A_40] {strides = array<i32>} : memref<632xf32, #tpu.memory_space<vmem>>, vector<16xf32>,
      %swap3A_42 = vector.shape_cast %swap3A_41 : vector<16xf32> to vector<16xf32>
      %swap3A_43 = vector.shape_cast %broadcast_in_dim3A_39 : vector<16xf32> to vector<16xf32>
      tpu.vector_store %arg12[%swap3A_40], %swap3A_43 {strides = array<i32>} : memref<632xf32, #tpu.memory_space<vmem>>, vector<16xf32>,
      %broadcast_in_dim3A_44 = arith.constant 0.000000e+00 : f32
      %broadcast_in_dim3A_45 = vector.broadcast %broadcast_in_dim3A_44 : f32 to vector<16xf32>
      %swap3A_46 = arith.constant 80 : index
      %swap3A_47 = tpu.vector_load %arg12[%swap3A_46] {strides = array<i32>} : memref<632xf32, #tpu.memory_space<vmem>>, vector<16xf32>,
      %swap3A_48 = vector.shape_cast %swap3A_47 : vector<16xf32> to vector<16xf32>
      %swap3A_49 = vector.shape_cast %broadcast_in_dim3A_45 : vector<16xf32> to vector<16xf32>
      tpu.vector_store %arg12[%swap3A_46], %swap3A_49 {strides = array<i32>} : memref<632xf32, #tpu.memory_space<vmem>>, vector<16xf32>,
      %broadcast_in_dim3A_50 = arith.constant 0.000000e+00 : f32
      %broadcast_in_dim3A_51 = vector.broadcast %broadcast_in_dim3A_50 : f32 to vector<16xf32>
      %swap3A_52 = arith.constant 96 : index
      %swap3A_53 = tpu.vector_load %arg12[%swap3A_52] {strides = array<i32>} : memref<632xf32, #tpu.memory_space<vmem>>, vector<16xf32>,
      %swap3A_54 = vector.shape_cast %swap3A_53 : vector<16xf32> to vector<16xf32>
      %swap3A_55 = vector.shape_cast %broadcast_in_dim3A_51 : vector<16xf32> to vector<16xf32>
      tpu.vector_store %arg12[%swap3A_52], %swap3A_55 {strides = array<i32>} : memref<632xf32, #tpu.memory_space<vmem>>, vector<16xf32>,
      %broadcast_in_dim3A_56 = arith.constant 0.000000e+00 : f32
      %broadcast_in_dim3A_57 = vector.broadcast %broadcast_in_dim3A_56 : f32 to vector<16xf32>
      %swap3A_58 = arith.constant 112 : index
      %swap3A_59 = tpu.vector_load %arg12[%swap3A_58] {strides = array<i32>} : memref<632xf32, #tpu.memory_space<vmem>>, vector<16xf32>,
      %swap3A_60 = vector.shape_cast %swap3A_59 : vector<16xf32> to vector<16xf32>
      %swap3A_61 = vector.shape_cast %broadcast_in_dim3A_57 : vector<16xf32> to vector<16xf32>
      tpu.vector_store %arg12[%swap3A_58], %swap3A_61 {strides = array<i32>} : memref<632xf32, #tpu.memory_space<vmem>>, vector<16xf32>,
      %broadcast_in_dim3A_62 = arith.constant 0.000000e+00 : f32
      %broadcast_in_dim3A_63 = vector.broadcast %broadcast_in_dim3A_62 : f32 to vector<16xf32>
      %swap3A_64 = arith.constant 128 : index
      %swap3A_65 = tpu.vector_load %arg12[%swap3A_64] {strides = array<i32>} : memref<632xf32, #tpu.memory_space<vmem>>, vector<16xf32>,
      %swap3A_66 = vector.shape_cast %swap3A_65 : vector<16xf32> to vector<16xf32>
      %swap3A_67 = vector.shape_cast %broadcast_in_dim3A_63 : vector<16xf32> to vector<16xf32>
      tpu.vector_store %arg12[%swap3A_64], %swap3A_67 {strides = array<i32>} : memref<632xf32, #tpu.memory_space<vmem>>, vector<16xf32>,
      %broadcast_in_dim3A_68 = arith.constant 0.000000e+00 : f32
      %broadcast_in_dim3A_69 = vector.broadcast %broadcast_in_dim3A_68 : f32 to vector<16xf32>
      %swap3A_70 = arith.constant 144 : index
      %swap3A_71 = tpu.vector_load %arg12[%swap3A_70] {strides = array<i32>} : memref<632xf32, #tpu.memory_space<vmem>>, vector<16xf32>,
      %swap3A_72 = vector.shape_cast %swap3A_71 : vector<16xf32> to vector<16xf32>
      %swap3A_73 = vector.shape_cast %broadcast_in_dim3A_69 : vector<16xf32> to vector<16xf32>
      tpu.vector_store %arg12[%swap3A_70], %swap3A_73 {strides = array<i32>} : memref<632xf32, #tpu.memory_space<vmem>>, vector<16xf32>,
      %broadcast_in_dim3A_74 = arith.constant 0.000000e+00 : f32
      %broadcast_in_dim3A_75 = vector.broadcast %broadcast_in_dim3A_74 : f32 to vector<16xf32>
      %swap3A_76 = arith.constant 160 : index
      %swap3A_77 = tpu.vector_load %arg12[%swap3A_76] {strides = array<i32>} : memref<632xf32, #tpu.memory_space<vmem>>, vector<16xf32>,
      %swap3A_78 = vector.shape_cast %swap3A_77 : vector<16xf32> to vector<16xf32>
      %swap3A_79 = vector.shape_cast %broadcast_in_dim3A_75 : vector<16xf32> to vector<16xf32>
      tpu.vector_store %arg12[%swap3A_76], %swap3A_79 {strides = array<i32>} : memref<632xf32, #tpu.memory_space<vmem>>, vector<16xf32>,
      %broadcast_in_dim3A_80 = arith.constant 0.000000e+00 : f32
      %broadcast_in_dim3A_81 = vector.broadcast %broadcast_in_dim3A_80 : f32 to vector<16xf32>
      %swap3A_82 = arith.constant 176 : index
      %swap3A_83 = tpu.vector_load %arg12[%swap3A_82] {strides = array<i32>} : memref<632xf32, #tpu.memory_space<vmem>>, vector<16xf32>,
      %swap3A_84 = vector.shape_cast %swap3A_83 : vector<16xf32> to vector<16xf32>
      %swap3A_85 = vector.shape_cast %broadcast_in_dim3A_81 : vector<16xf32> to vector<16xf32>
      tpu.vector_store %arg12[%swap3A_82], %swap3A_85 {strides = array<i32>} : memref<632xf32, #tpu.memory_space<vmem>>, vector<16xf32>,
      %broadcast_in_dim3A_86 = arith.constant 0.000000e+00 : f32
      %broadcast_in_dim3A_87 = vector.broadcast %broadcast_in_dim3A_86 : f32 to vector<16xf32>
      %swap3A_88 = arith.constant 192 : index
      %swap3A_89 = tpu.vector_load %arg12[%swap3A_88] {strides = array<i32>} : memref<632xf32, #tpu.memory_space<vmem>>, vector<16xf32>,
      %swap3A_90 = vector.shape_cast %swap3A_89 : vector<16xf32> to vector<16xf32>
      %swap3A_91 = vector.shape_cast %broadcast_in_dim3A_87 : vector<16xf32> to vector<16xf32>
      tpu.vector_store %arg12[%swap3A_88], %swap3A_91 {strides = array<i32>} : memref<632xf32, #tpu.memory_space<vmem>>, vector<16xf32>,
      %broadcast_in_dim3A_92 = arith.constant 0.000000e+00 : f32
      %broadcast_in_dim3A_93 = vector.broadcast %broadcast_in_dim3A_92 : f32 to vector<16xf32>
      %swap3A_94 = arith.constant 208 : index
      %swap3A_95 = tpu.vector_load %arg12[%swap3A_94] {strides = array<i32>} : memref<632xf32, #tpu.memory_space<vmem>>, vector<16xf32>,
      %swap3A_96 = vector.shape_cast %swap3A_95 : vector<16xf32> to vector<16xf32>
      %swap3A_97 = vector.shape_cast %broadcast_in_dim3A_93 : vector<16xf32> to vector<16xf32>
      tpu.vector_store %arg12[%swap3A_94], %swap3A_97 {strides = array<i32>} : memref<632xf32, #tpu.memory_space<vmem>>, vector<16xf32>,
      %broadcast_in_dim3A_98 = arith.constant 0.000000e+00 : f32
      %broadcast_in_dim3A_99 = vector.broadcast %broadcast_in_dim3A_98 : f32 to vector<16xf32>
      %swap3A_100 = arith.constant 224 : index
      %swap3A_101 = tpu.vector_load %arg12[%swap3A_100] {strides = array<i32>} : memref<632xf32, #tpu.memory_space<vmem>>, vector<16xf32>,
      %swap3A_102 = vector.shape_cast %swap3A_101 : vector<16xf32> to vector<16xf32>
      %swap3A_103 = vector.shape_cast %broadcast_in_dim3A_99 : vector<16xf32> to vector<16xf32>
      tpu.vector_store %arg12[%swap3A_100], %swap3A_103 {strides = array<i32>} : memref<632xf32, #tpu.memory_space<vmem>>, vector<16xf32>,
      %broadcast_in_dim3A_104 = arith.constant 0.000000e+00 : f32
      %broadcast_in_dim3A_105 = vector.broadcast %broadcast_in_dim3A_104 : f32 to vector<16xf32>
      %swap3A_106 = arith.constant 240 : index
      %swap3A_107 = tpu.vector_load %arg12[%swap3A_106] {strides = array<i32>} : memref<632xf32, #tpu.memory_space<vmem>>, vector<16xf32>,
      %swap3A_108 = vector.shape_cast %swap3A_107 : vector<16xf32> to vector<16xf32>
      %swap3A_109 = vector.shape_cast %broadcast_in_dim3A_105 : vector<16xf32> to vector<16xf32>
      tpu.vector_store %arg12[%swap3A_106], %swap3A_109 {strides = array<i32>} : memref<632xf32, #tpu.memory_space<vmem>>, vector<16xf32>,
      %broadcast_in_dim3A_110 = arith.constant 0.000000e+00 : f32
      %broadcast_in_dim3A_111 = vector.broadcast %broadcast_in_dim3A_110 : f32 to vector<16xf32>
      %swap3A_112 = arith.constant 256 : index
      %swap3A_113 = tpu.vector_load %arg12[%swap3A_112] {strides = array<i32>} : memref<632xf32, #tpu.memory_space<vmem>>, vector<16xf32>,
      %swap3A_114 = vector.shape_cast %swap3A_113 : vector<16xf32> to vector<16xf32>
      %swap3A_115 = vector.shape_cast %broadcast_in_dim3A_111 : vector<16xf32> to vector<16xf32>
      tpu.vector_store %arg12[%swap3A_112], %swap3A_115 {strides = array<i32>} : memref<632xf32, #tpu.memory_space<vmem>>, vector<16xf32>,
      %broadcast_in_dim3A_116 = arith.constant 0.000000e+00 : f32
      %broadcast_in_dim3A_117 = vector.broadcast %broadcast_in_dim3A_116 : f32 to vector<16xf32>
      %swap3A_118 = arith.constant 272 : index
      %swap3A_119 = tpu.vector_load %arg12[%swap3A_118] {strides = array<i32>} : memref<632xf32, #tpu.memory_space<vmem>>, vector<16xf32>,
      %swap3A_120 = vector.shape_cast %swap3A_119 : vector<16xf32> to vector<16xf32>
      %swap3A_121 = vector.shape_cast %broadcast_in_dim3A_117 : vector<16xf32> to vector<16xf32>
      tpu.vector_store %arg12[%swap3A_118], %swap3A_121 {strides = array<i32>} : memref<632xf32, #tpu.memory_space<vmem>>, vector<16xf32>,
      %broadcast_in_dim3A_122 = arith.constant 0.000000e+00 : f32
      %broadcast_in_dim3A_123 = vector.broadcast %broadcast_in_dim3A_122 : f32 to vector<16xf32>
      %swap3A_124 = arith.constant 288 : index
      %swap3A_125 = tpu.vector_load %arg12[%swap3A_124] {strides = array<i32>} : memref<632xf32, #tpu.memory_space<vmem>>, vector<16xf32>,
      %swap3A_126 = vector.shape_cast %swap3A_125 : vector<16xf32> to vector<16xf32>
      %swap3A_127 = vector.shape_cast %broadcast_in_dim3A_123 : vector<16xf32> to vector<16xf32>
      tpu.vector_store %arg12[%swap3A_124], %swap3A_127 {strides = array<i32>} : memref<632xf32, #tpu.memory_space<vmem>>, vector<16xf32>,
      %broadcast_in_dim3A_128 = arith.constant 0.000000e+00 : f32
      %broadcast_in_dim3A_129 = vector.broadcast %broadcast_in_dim3A_128 : f32 to vector<16xf32>
      %swap3A_130 = arith.constant 304 : index
      %swap3A_131 = tpu.vector_load %arg12[%swap3A_130] {strides = array<i32>} : memref<632xf32, #tpu.memory_space<vmem>>, vector<16xf32>,
      %swap3A_132 = vector.shape_cast %swap3A_131 : vector<16xf32> to vector<16xf32>
      %swap3A_133 = vector.shape_cast %broadcast_in_dim3A_129 : vector<16xf32> to vector<16xf32>
      tpu.vector_store %arg12[%swap3A_130], %swap3A_133 {strides = array<i32>} : memref<632xf32, #tpu.memory_space<vmem>>, vector<16xf32>,
      %broadcast_in_dim3A_134 = arith.constant 0.000000e+00 : f32
      %broadcast_in_dim3A_135 = vector.broadcast %broadcast_in_dim3A_134 : f32 to vector<16xf32>
      %swap3A_136 = arith.constant 320 : index
      %swap3A_137 = tpu.vector_load %arg12[%swap3A_136] {strides = array<i32>} : memref<632xf32, #tpu.memory_space<vmem>>, vector<16xf32>,
      %swap3A_138 = vector.shape_cast %swap3A_137 : vector<16xf32> to vector<16xf32>
      %swap3A_139 = vector.shape_cast %broadcast_in_dim3A_135 : vector<16xf32> to vector<16xf32>
      tpu.vector_store %arg12[%swap3A_136], %swap3A_139 {strides = array<i32>} : memref<632xf32, #tpu.memory_space<vmem>>, vector<16xf32>,
      %broadcast_in_dim3A_140 = arith.constant 0.000000e+00 : f32
      %broadcast_in_dim3A_141 = vector.broadcast %broadcast_in_dim3A_140 : f32 to vector<16xf32>
      %swap3A_142 = arith.constant 336 : index
      %swap3A_143 = tpu.vector_load %arg12[%swap3A_142] {strides = array<i32>} : memref<632xf32, #tpu.memory_space<vmem>>, vector<16xf32>,
      %swap3A_144 = vector.shape_cast %swap3A_143 : vector<16xf32> to vector<16xf32>
      %swap3A_145 = vector.shape_cast %broadcast_in_dim3A_141 : vector<16xf32> to vector<16xf32>
      tpu.vector_store %arg12[%swap3A_142], %swap3A_145 {strides = array<i32>} : memref<632xf32, #tpu.memory_space<vmem>>, vector<16xf32>,
      %broadcast_in_dim3A_146 = arith.constant 0.000000e+00 : f32
      %broadcast_in_dim3A_147 = vector.broadcast %broadcast_in_dim3A_146 : f32 to vector<16xf32>
      %swap3A_148 = arith.constant 352 : index
      %swap3A_149 = tpu.vector_load %arg12[%swap3A_148] {strides = array<i32>} : memref<632xf32, #tpu.memory_space<vmem>>, vector<16xf32>,
      %swap3A_150 = vector.shape_cast %swap3A_149 : vector<16xf32> to vector<16xf32>
      %swap3A_151 = vector.shape_cast %broadcast_in_dim3A_147 : vector<16xf32> to vector<16xf32>
      tpu.vector_store %arg12[%swap3A_148], %swap3A_151 {strides = array<i32>} : memref<632xf32, #tpu.memory_space<vmem>>, vector<16xf32>,
      %broadcast_in_dim3A_152 = arith.constant 0.000000e+00 : f32
      %broadcast_in_dim3A_153 = vector.broadcast %broadcast_in_dim3A_152 : f32 to vector<16xf32>
      %swap3A_154 = arith.constant 368 : index
      %swap3A_155 = tpu.vector_load %arg12[%swap3A_154] {strides = array<i32>} : memref<632xf32, #tpu.memory_space<vmem>>, vector<16xf32>,
      %swap3A_156 = vector.shape_cast %swap3A_155 : vector<16xf32> to vector<16xf32>
      %swap3A_157 = vector.shape_cast %broadcast_in_dim3A_153 : vector<16xf32> to vector<16xf32>
      tpu.vector_store %arg12[%swap3A_154], %swap3A_157 {strides = array<i32>} : memref<632xf32, #tpu.memory_space<vmem>>, vector<16xf32>,
      %broadcast_in_dim3A_158 = arith.constant 0.000000e+00 : f32
      %broadcast_in_dim3A_159 = vector.broadcast %broadcast_in_dim3A_158 : f32 to vector<16xf32>
      %swap3A_160 = arith.constant 384 : index
      %swap3A_161 = tpu.vector_load %arg12[%swap3A_160] {strides = array<i32>} : memref<632xf32, #tpu.memory_space<vmem>>, vector<16xf32>,
      %swap3A_162 = vector.shape_cast %swap3A_161 : vector<16xf32> to vector<16xf32>
      %swap3A_163 = vector.shape_cast %broadcast_in_dim3A_159 : vector<16xf32> to vector<16xf32>
      tpu.vector_store %arg12[%swap3A_160], %swap3A_163 {strides = array<i32>} : memref<632xf32, #tpu.memory_space<vmem>>, vector<16xf32>,
      %broadcast_in_dim3A_164 = arith.constant 0.000000e+00 : f32
      %broadcast_in_dim3A_165 = vector.broadcast %broadcast_in_dim3A_164 : f32 to vector<16xf32>
      %swap3A_166 = arith.constant 400 : index
      %swap3A_167 = tpu.vector_load %arg12[%swap3A_166] {strides = array<i32>} : memref<632xf32, #tpu.memory_space<vmem>>, vector<16xf32>,
      %swap3A_168 = vector.shape_cast %swap3A_167 : vector<16xf32> to vector<16xf32>
      %swap3A_169 = vector.shape_cast %broadcast_in_dim3A_165 : vector<16xf32> to vector<16xf32>
      tpu.vector_store %arg12[%swap3A_166], %swap3A_169 {strides = array<i32>} : memref<632xf32, #tpu.memory_space<vmem>>, vector<16xf32>,
      %broadcast_in_dim3A_170 = arith.constant 0.000000e+00 : f32
      %broadcast_in_dim3A_171 = vector.broadcast %broadcast_in_dim3A_170 : f32 to vector<16xf32>
      %swap3A_172 = arith.constant 416 : index
      %swap3A_173 = tpu.vector_load %arg12[%swap3A_172] {strides = array<i32>} : memref<632xf32, #tpu.memory_space<vmem>>, vector<16xf32>,
      %swap3A_174 = vector.shape_cast %swap3A_173 : vector<16xf32> to vector<16xf32>
      %swap3A_175 = vector.shape_cast %broadcast_in_dim3A_171 : vector<16xf32> to vector<16xf32>
      tpu.vector_store %arg12[%swap3A_172], %swap3A_175 {strides = array<i32>} : memref<632xf32, #tpu.memory_space<vmem>>, vector<16xf32>,
      %broadcast_in_dim3A_176 = arith.constant 0.000000e+00 : f32
      %broadcast_in_dim3A_177 = vector.broadcast %broadcast_in_dim3A_176 : f32 to vector<16xf32>
      %swap3A_178 = arith.constant 432 : index
      %swap3A_179 = tpu.vector_load %arg12[%swap3A_178] {strides = array<i32>} : memref<632xf32, #tpu.memory_space<vmem>>, vector<16xf32>,
      %swap3A_180 = vector.shape_cast %swap3A_179 : vector<16xf32> to vector<16xf32>
      %swap3A_181 = vector.shape_cast %broadcast_in_dim3A_177 : vector<16xf32> to vector<16xf32>
      tpu.vector_store %arg12[%swap3A_178], %swap3A_181 {strides = array<i32>} : memref<632xf32, #tpu.memory_space<vmem>>, vector<16xf32>,
      %broadcast_in_dim3A_182 = arith.constant 0.000000e+00 : f32
      %broadcast_in_dim3A_183 = vector.broadcast %broadcast_in_dim3A_182 : f32 to vector<16xf32>
      %swap3A_184 = arith.constant 448 : index
      %swap3A_185 = tpu.vector_load %arg12[%swap3A_184] {strides = array<i32>} : memref<632xf32, #tpu.memory_space<vmem>>, vector<16xf32>,
      %swap3A_186 = vector.shape_cast %swap3A_185 : vector<16xf32> to vector<16xf32>
      %swap3A_187 = vector.shape_cast %broadcast_in_dim3A_183 : vector<16xf32> to vector<16xf32>
      tpu.vector_store %arg12[%swap3A_184], %swap3A_187 {strides = array<i32>} : memref<632xf32, #tpu.memory_space<vmem>>, vector<16xf32>,
      %broadcast_in_dim3A_188 = arith.constant 0.000000e+00 : f32
      %broadcast_in_dim3A_189 = vector.broadcast %broadcast_in_dim3A_188 : f32 to vector<16xf32>
      %swap3A_190 = arith.constant 464 : index
      %swap3A_191 = tpu.vector_load %arg12[%swap3A_190] {strides = array<i32>} : memref<632xf32, #tpu.memory_space<vmem>>, vector<16xf32>,
      %swap3A_192 = vector.shape_cast %swap3A_191 : vector<16xf32> to vector<16xf32>
      %swap3A_193 = vector.shape_cast %broadcast_in_dim3A_189 : vector<16xf32> to vector<16xf32>
      tpu.vector_store %arg12[%swap3A_190], %swap3A_193 {strides = array<i32>} : memref<632xf32, #tpu.memory_space<vmem>>, vector<16xf32>,
      %broadcast_in_dim3A_194 = arith.constant 0.000000e+00 : f32
      %broadcast_in_dim3A_195 = vector.broadcast %broadcast_in_dim3A_194 : f32 to vector<16xf32>
      %swap3A_196 = arith.constant 480 : index
      %swap3A_197 = tpu.vector_load %arg12[%swap3A_196] {strides = array<i32>} : memref<632xf32, #tpu.memory_space<vmem>>, vector<16xf32>,
      %swap3A_198 = vector.shape_cast %swap3A_197 : vector<16xf32> to vector<16xf32>
      %swap3A_199 = vector.shape_cast %broadcast_in_dim3A_195 : vector<16xf32> to vector<16xf32>
      tpu.vector_store %arg12[%swap3A_196], %swap3A_199 {strides = array<i32>} : memref<632xf32, #tpu.memory_space<vmem>>, vector<16xf32>,
      %broadcast_in_dim3A_200 = arith.constant 0.000000e+00 : f32
      %broadcast_in_dim3A_201 = vector.broadcast %broadcast_in_dim3A_200 : f32 to vector<16xf32>
      %swap3A_202 = arith.constant 496 : index
      %swap3A_203 = tpu.vector_load %arg12[%swap3A_202] {strides = array<i32>} : memref<632xf32, #tpu.memory_space<vmem>>, vector<16xf32>,
      %swap3A_204 = vector.shape_cast %swap3A_203 : vector<16xf32> to vector<16xf32>
      %swap3A_205 = vector.shape_cast %broadcast_in_dim3A_201 : vector<16xf32> to vector<16xf32>
      tpu.vector_store %arg12[%swap3A_202], %swap3A_205 {strides = array<i32>} : memref<632xf32, #tpu.memory_space<vmem>>, vector<16xf32>,
      %broadcast_in_dim3A_206 = arith.constant 0.000000e+00 : f32
      %broadcast_in_dim3A_207 = vector.broadcast %broadcast_in_dim3A_206 : f32 to vector<16xf32>
      %swap3A_208 = arith.constant 512 : index
      %swap3A_209 = tpu.vector_load %arg12[%swap3A_208] {strides = array<i32>} : memref<632xf32, #tpu.memory_space<vmem>>, vector<16xf32>,
      %swap3A_210 = vector.shape_cast %swap3A_209 : vector<16xf32> to vector<16xf32>
      %swap3A_211 = vector.shape_cast %broadcast_in_dim3A_207 : vector<16xf32> to vector<16xf32>
      tpu.vector_store %arg12[%swap3A_208], %swap3A_211 {strides = array<i32>} : memref<632xf32, #tpu.memory_space<vmem>>, vector<16xf32>,
      %broadcast_in_dim3A_212 = arith.constant 0.000000e+00 : f32
      %broadcast_in_dim3A_213 = vector.broadcast %broadcast_in_dim3A_212 : f32 to vector<16xf32>
      %swap3A_214 = arith.constant 528 : index
      %swap3A_215 = tpu.vector_load %arg12[%swap3A_214] {strides = array<i32>} : memref<632xf32, #tpu.memory_space<vmem>>, vector<16xf32>,
      %swap3A_216 = vector.shape_cast %swap3A_215 : vector<16xf32> to vector<16xf32>
      %swap3A_217 = vector.shape_cast %broadcast_in_dim3A_213 : vector<16xf32> to vector<16xf32>
      tpu.vector_store %arg12[%swap3A_214], %swap3A_217 {strides = array<i32>} : memref<632xf32, #tpu.memory_space<vmem>>, vector<16xf32>,
      %broadcast_in_dim3A_218 = arith.constant 0.000000e+00 : f32
      %broadcast_in_dim3A_219 = vector.broadcast %broadcast_in_dim3A_218 : f32 to vector<16xf32>
      %swap3A_220 = arith.constant 544 : index
      %swap3A_221 = tpu.vector_load %arg12[%swap3A_220] {strides = array<i32>} : memref<632xf32, #tpu.memory_space<vmem>>, vector<16xf32>,
      %swap3A_222 = vector.shape_cast %swap3A_221 : vector<16xf32> to vector<16xf32>
      %swap3A_223 = vector.shape_cast %broadcast_in_dim3A_219 : vector<16xf32> to vector<16xf32>
      tpu.vector_store %arg12[%swap3A_220], %swap3A_223 {strides = array<i32>} : memref<632xf32, #tpu.memory_space<vmem>>, vector<16xf32>,
      %broadcast_in_dim3A_224 = arith.constant 0.000000e+00 : f32
      %broadcast_in_dim3A_225 = vector.broadcast %broadcast_in_dim3A_224 : f32 to vector<16xf32>
      %swap3A_226 = arith.constant 560 : index
      %swap3A_227 = tpu.vector_load %arg12[%swap3A_226] {strides = array<i32>} : memref<632xf32, #tpu.memory_space<vmem>>, vector<16xf32>,
      %swap3A_228 = vector.shape_cast %swap3A_227 : vector<16xf32> to vector<16xf32>
      %swap3A_229 = vector.shape_cast %broadcast_in_dim3A_225 : vector<16xf32> to vector<16xf32>
      tpu.vector_store %arg12[%swap3A_226], %swap3A_229 {strides = array<i32>} : memref<632xf32, #tpu.memory_space<vmem>>, vector<16xf32>,
      %broadcast_in_dim3A_230 = arith.constant 0.000000e+00 : f32
      %broadcast_in_dim3A_231 = vector.broadcast %broadcast_in_dim3A_230 : f32 to vector<16xf32>
      %swap3A_232 = arith.constant 576 : index
      %swap3A_233 = tpu.vector_load %arg12[%swap3A_232] {strides = array<i32>} : memref<632xf32, #tpu.memory_space<vmem>>, vector<16xf32>,
      %swap3A_234 = vector.shape_cast %swap3A_233 : vector<16xf32> to vector<16xf32>
      %swap3A_235 = vector.shape_cast %broadcast_in_dim3A_231 : vector<16xf32> to vector<16xf32>
      tpu.vector_store %arg12[%swap3A_232], %swap3A_235 {strides = array<i32>} : memref<632xf32, #tpu.memory_space<vmem>>, vector<16xf32>,
      %broadcast_in_dim3A_236 = arith.constant 0.000000e+00 : f32
      %broadcast_in_dim3A_237 = vector.broadcast %broadcast_in_dim3A_236 : f32 to vector<16xf32>
      %swap3A_238 = arith.constant 592 : index
      %swap3A_239 = tpu.vector_load %arg12[%swap3A_238] {strides = array<i32>} : memref<632xf32, #tpu.memory_space<vmem>>, vector<16xf32>,
      %swap3A_240 = vector.shape_cast %swap3A_239 : vector<16xf32> to vector<16xf32>
      %swap3A_241 = vector.shape_cast %broadcast_in_dim3A_237 : vector<16xf32> to vector<16xf32>
      tpu.vector_store %arg12[%swap3A_238], %swap3A_241 {strides = array<i32>} : memref<632xf32, #tpu.memory_space<vmem>>, vector<16xf32>,
      %broadcast_in_dim3A_242 = arith.constant 0.000000e+00 : f32
      %broadcast_in_dim3A_243 = vector.broadcast %broadcast_in_dim3A_242 : f32 to vector<16xf32>
      %swap3A_244 = arith.constant 608 : index
      %swap3A_245 = tpu.vector_load %arg12[%swap3A_244] {strides = array<i32>} : memref<632xf32, #tpu.memory_space<vmem>>, vector<16xf32>,
      %swap3A_246 = vector.shape_cast %swap3A_245 : vector<16xf32> to vector<16xf32>
      %swap3A_247 = vector.shape_cast %broadcast_in_dim3A_243 : vector<16xf32> to vector<16xf32>
      tpu.vector_store %arg12[%swap3A_244], %swap3A_247 {strides = array<i32>} : memref<632xf32, #tpu.memory_space<vmem>>, vector<16xf32>,
      %broadcast_in_dim3A_248 = arith.constant 0.000000e+00 : f32
      %broadcast_in_dim3A_249 = vector.broadcast %broadcast_in_dim3A_248 : f32 to vector<16xf32>
      %swap3A_250 = arith.constant 616 : index
      %swap3A_251 = tpu.vector_load %arg12[%swap3A_250] {strides = array<i32>} : memref<632xf32, #tpu.memory_space<vmem>>, vector<16xf32>,
      %swap3A_252 = vector.shape_cast %swap3A_251 : vector<16xf32> to vector<16xf32>
      %swap3A_253 = vector.shape_cast %broadcast_in_dim3A_249 : vector<16xf32> to vector<16xf32>
      tpu.vector_store %arg12[%swap3A_250], %swap3A_253 {strides = array<i32>} : memref<632xf32, #tpu.memory_space<vmem>>, vector<16xf32>,
      "tpu.region"() ({
        %run_scoped3A = tpu.sem_alloc : memref<!tpu.dma_semaphore, #tpu.memory_space<semaphore_mem>>
        %dma_start3A = tpu.memref_slice %arg14[%mul3A_0] : memref<10112xf32, #tpu.memory_space<vmem_shared>> -> memref<632xf32, #tpu.memory_space<vmem_shared>>
        %dma_start3A_302 = tpu.memref_slice %arg14[%mul3A_0] : memref<10112xf32, #tpu.memory_space<vmem_shared>> -> memref<632xf32, #tpu.memory_space<vmem_shared>>
        tpu.enqueue_dma source(%arg12 : memref<632xf32, #tpu.memory_space<vmem>>) target(%dma_start3A_302 : memref<632xf32, #tpu.memory_space<vmem_shared>>) target_semaphore(%run_scoped3A : memref<!tpu.dma_semaphore, #tpu.memory_space<semaphore_mem>>)
        %dma_wait3A = tpu.memref_slice %arg14[%mul3A_0] : memref<10112xf32, #tpu.memory_space<vmem_shared>> -> memref<632xf32, #tpu.memory_space<vmem_shared>>
        %dma_wait3A_303 = tpu.memref_slice %arg14[%mul3A_0] : memref<10112xf32, #tpu.memory_space<vmem_shared>> -> memref<632xf32, #tpu.memory_space<vmem_shared>>
        tpu.wait_dma2 semaphore(%run_scoped3A : memref<!tpu.dma_semaphore, #tpu.memory_space<semaphore_mem>>) src(%arg12 : memref<632xf32, #tpu.memory_space<vmem>>) dst(%dma_wait3A_303 : memref<632xf32, #tpu.memory_space<vmem_shared>>)
        tpu.yield
      }) : () -> ()
      "tpu.region"() ({
        %run_scoped3A = tpu.sem_alloc : memref<!tpu.dma_semaphore, #tpu.memory_space<semaphore_mem>>
        %dma_start3A = arith.constant 0 : i32
        %dma_start3A_302 = tpu.memref_slice %arg2[%mul3A_2, %dma_start3A] : memref<2560x128xi32, #tpu.memory_space<hbm>> -> memref<160x128xi32, #tpu.memory_space<hbm>>
        %dma_start3A_303 = arith.constant 0 : i32
        %dma_start3A_304 = tpu.memref_slice %arg2[%mul3A_2, %dma_start3A_303] : memref<2560x128xi32, #tpu.memory_space<hbm>> -> memref<160x128xi32, #tpu.memory_space<hbm>>
        tpu.enqueue_dma source(%dma_start3A_304 : memref<160x128xi32, #tpu.memory_space<hbm>>) target(%arg8 : memref<160x128xi32, #tpu.memory_space<vmem>>) target_semaphore(%run_scoped3A : memref<!tpu.dma_semaphore, #tpu.memory_space<semaphore_mem>>)
        %dma_wait3A = arith.constant 0 : i32
        %dma_wait3A_305 = tpu.memref_slice %arg2[%mul3A_2, %dma_wait3A] : memref<2560x128xi32, #tpu.memory_space<hbm>> -> memref<160x128xi32, #tpu.memory_space<hbm>>
        %dma_wait3A_306 = arith.constant 0 : i32
        %dma_wait3A_307 = tpu.memref_slice %arg2[%mul3A_2, %dma_wait3A_306] : memref<2560x128xi32, #tpu.memory_space<hbm>> -> memref<160x128xi32, #tpu.memory_space<hbm>>
        tpu.wait_dma2 semaphore(%run_scoped3A : memref<!tpu.dma_semaphore, #tpu.memory_space<semaphore_mem>>) src(%dma_wait3A_307 : memref<160x128xi32, #tpu.memory_space<hbm>>) dst(%arg8 : memref<160x128xi32, #tpu.memory_space<vmem>>)
        tpu.yield
      }) : () -> ()
      "tpu.region"() ({
        %run_scoped3A = tpu.sem_alloc : memref<!tpu.dma_semaphore, #tpu.memory_space<semaphore_mem>>
        %dma_start3A = arith.constant 0 : i32
        %dma_start3A_302 = tpu.memref_slice %arg3[%mul3A_2, %dma_start3A] : memref<2560x128xi32, #tpu.memory_space<hbm>> -> memref<160x128xi32, #tpu.memory_space<hbm>>
        %dma_start3A_303 = arith.constant 0 : i32
        %dma_start3A_304 = tpu.memref_slice %arg3[%mul3A_2, %dma_start3A_303] : memref<2560x128xi32, #tpu.memory_space<hbm>> -> memref<160x128xi32, #tpu.memory_space<hbm>>
        tpu.enqueue_dma source(%dma_start3A_304 : memref<160x128xi32, #tpu.memory_space<hbm>>) target(%arg9 : memref<160x128xi32, #tpu.memory_space<vmem>>) target_semaphore(%run_scoped3A : memref<!tpu.dma_semaphore, #tpu.memory_space<semaphore_mem>>)
        %dma_wait3A = arith.constant 0 : i32
        %dma_wait3A_305 = tpu.memref_slice %arg3[%mul3A_2, %dma_wait3A] : memref<2560x128xi32, #tpu.memory_space<hbm>> -> memref<160x128xi32, #tpu.memory_space<hbm>>
        %dma_wait3A_306 = arith.constant 0 : i32
        %dma_wait3A_307 = tpu.memref_slice %arg3[%mul3A_2, %dma_wait3A_306] : memref<2560x128xi32, #tpu.memory_space<hbm>> -> memref<160x128xi32, #tpu.memory_space<hbm>>
        tpu.wait_dma2 semaphore(%run_scoped3A : memref<!tpu.dma_semaphore, #tpu.memory_space<semaphore_mem>>) src(%dma_wait3A_307 : memref<160x128xi32, #tpu.memory_space<hbm>>) dst(%arg9 : memref<160x128xi32, #tpu.memory_space<vmem>>)
        tpu.yield
      }) : () -> ()
      %broadcast_in_dim3A_254 = arith.constant 1.000000e+00 : f32
      %broadcast_in_dim3A_255 = vector.broadcast %broadcast_in_dim3A_254 : f32 to vector<16xf32>
      %swap3A_256 = arith.constant 0 : index
      %swap3A_257 = tpu.vector_load %arg11[%swap3A_256] {strides = array<i32>} : memref<128xf32, #tpu.memory_space<vmem>>, vector<16xf32>,
      %swap3A_258 = vector.shape_cast %swap3A_257 : vector<16xf32> to vector<16xf32>
      %swap3A_259 = vector.shape_cast %broadcast_in_dim3A_255 : vector<16xf32> to vector<16xf32>
      tpu.vector_store %arg11[%swap3A_256], %swap3A_259 {strides = array<i32>} : memref<128xf32, #tpu.memory_space<vmem>>, vector<16xf32>,
      %broadcast_in_dim3A_260 = arith.constant 1.000000e+00 : f32
      %broadcast_in_dim3A_261 = vector.broadcast %broadcast_in_dim3A_260 : f32 to vector<16xf32>
      %swap3A_262 = arith.constant 16 : index
      %swap3A_263 = tpu.vector_load %arg11[%swap3A_262] {strides = array<i32>} : memref<128xf32, #tpu.memory_space<vmem>>, vector<16xf32>,
      %swap3A_264 = vector.shape_cast %swap3A_263 : vector<16xf32> to vector<16xf32>
      %swap3A_265 = vector.shape_cast %broadcast_in_dim3A_261 : vector<16xf32> to vector<16xf32>
      tpu.vector_store %arg11[%swap3A_262], %swap3A_265 {strides = array<i32>} : memref<128xf32, #tpu.memory_space<vmem>>, vector<16xf32>,
      %broadcast_in_dim3A_266 = arith.constant 1.000000e+00 : f32
      %broadcast_in_dim3A_267 = vector.broadcast %broadcast_in_dim3A_266 : f32 to vector<16xf32>
      %swap3A_268 = arith.constant 32 : index
      %swap3A_269 = tpu.vector_load %arg11[%swap3A_268] {strides = array<i32>} : memref<128xf32, #tpu.memory_space<vmem>>, vector<16xf32>,
      %swap3A_270 = vector.shape_cast %swap3A_269 : vector<16xf32> to vector<16xf32>
      %swap3A_271 = vector.shape_cast %broadcast_in_dim3A_267 : vector<16xf32> to vector<16xf32>
      tpu.vector_store %arg11[%swap3A_268], %swap3A_271 {strides = array<i32>} : memref<128xf32, #tpu.memory_space<vmem>>, vector<16xf32>,
      %broadcast_in_dim3A_272 = arith.constant 1.000000e+00 : f32
      %broadcast_in_dim3A_273 = vector.broadcast %broadcast_in_dim3A_272 : f32 to vector<16xf32>
      %swap3A_274 = arith.constant 48 : index
      %swap3A_275 = tpu.vector_load %arg11[%swap3A_274] {strides = array<i32>} : memref<128xf32, #tpu.memory_space<vmem>>, vector<16xf32>,
      %swap3A_276 = vector.shape_cast %swap3A_275 : vector<16xf32> to vector<16xf32>
      %swap3A_277 = vector.shape_cast %broadcast_in_dim3A_273 : vector<16xf32> to vector<16xf32>
      tpu.vector_store %arg11[%swap3A_274], %swap3A_277 {strides = array<i32>} : memref<128xf32, #tpu.memory_space<vmem>>, vector<16xf32>,
      %broadcast_in_dim3A_278 = arith.constant 1.000000e+00 : f32
      %broadcast_in_dim3A_279 = vector.broadcast %broadcast_in_dim3A_278 : f32 to vector<16xf32>
      %swap3A_280 = arith.constant 64 : index
      %swap3A_281 = tpu.vector_load %arg11[%swap3A_280] {strides = array<i32>} : memref<128xf32, #tpu.memory_space<vmem>>, vector<16xf32>,
      %swap3A_282 = vector.shape_cast %swap3A_281 : vector<16xf32> to vector<16xf32>
      %swap3A_283 = vector.shape_cast %broadcast_in_dim3A_279 : vector<16xf32> to vector<16xf32>
      tpu.vector_store %arg11[%swap3A_280], %swap3A_283 {strides = array<i32>} : memref<128xf32, #tpu.memory_space<vmem>>, vector<16xf32>,
      %broadcast_in_dim3A_284 = arith.constant 1.000000e+00 : f32
      %broadcast_in_dim3A_285 = vector.broadcast %broadcast_in_dim3A_284 : f32 to vector<16xf32>
      %swap3A_286 = arith.constant 80 : index
      %swap3A_287 = tpu.vector_load %arg11[%swap3A_286] {strides = array<i32>} : memref<128xf32, #tpu.memory_space<vmem>>, vector<16xf32>,
      %swap3A_288 = vector.shape_cast %swap3A_287 : vector<16xf32> to vector<16xf32>
      %swap3A_289 = vector.shape_cast %broadcast_in_dim3A_285 : vector<16xf32> to vector<16xf32>
      tpu.vector_store %arg11[%swap3A_286], %swap3A_289 {strides = array<i32>} : memref<128xf32, #tpu.memory_space<vmem>>, vector<16xf32>,
      %broadcast_in_dim3A_290 = arith.constant 1.000000e+00 : f32
      %broadcast_in_dim3A_291 = vector.broadcast %broadcast_in_dim3A_290 : f32 to vector<16xf32>
      %swap3A_292 = arith.constant 96 : index
      %swap3A_293 = tpu.vector_load %arg11[%swap3A_292] {strides = array<i32>} : memref<128xf32, #tpu.memory_space<vmem>>, vector<16xf32>,
      %swap3A_294 = vector.shape_cast %swap3A_293 : vector<16xf32> to vector<16xf32>
      %swap3A_295 = vector.shape_cast %broadcast_in_dim3A_291 : vector<16xf32> to vector<16xf32>
      tpu.vector_store %arg11[%swap3A_292], %swap3A_295 {strides = array<i32>} : memref<128xf32, #tpu.memory_space<vmem>>, vector<16xf32>,
      %broadcast_in_dim3A_296 = arith.constant 1.000000e+00 : f32
      %broadcast_in_dim3A_297 = vector.broadcast %broadcast_in_dim3A_296 : f32 to vector<16xf32>
      %swap3A_298 = arith.constant 112 : index
      %swap3A_299 = tpu.vector_load %arg11[%swap3A_298] {strides = array<i32>} : memref<128xf32, #tpu.memory_space<vmem>>, vector<16xf32>,
      %swap3A_300 = vector.shape_cast %swap3A_299 : vector<16xf32> to vector<16xf32>
      %swap3A_301 = vector.shape_cast %broadcast_in_dim3A_297 : vector<16xf32> to vector<16xf32>
      tpu.vector_store %arg11[%swap3A_298], %swap3A_301 {strides = array<i32>} : memref<128xf32, #tpu.memory_space<vmem>>, vector<16xf32>,
    } else {
    }
    %barrier3A = arith.constant 0 : index
    tpu.barrier barrier_id(%barrier3A)
    %eq3A_5 = arith.constant 0 : i32
    %eq3A_6 = arith.cmpi eq, %arg0, %eq3A_5 : i32
    %convert_element_type3A_7 = arith.extui %eq3A_6 : i1 to i32
    %cond3A_8 = arith.constant 0 : i32
    %cond3A_9 = arith.cmpi ne, %convert_element_type3A_7, %cond3A_8 : i32
    scf.if %cond3A_9 {
      %dma_start3A = arith.constant 0 : i32
      %dma_start3A_16 = arith.constant 0 : i32
      %dma_start3A_17 = arith.constant 0 : i32
      %dma_start3A_18 = arith.constant 0 : i32
      %dma_start3A_19 = tpu.memref_slice %arg10[%dma_start3A_16, %dma_start3A_17, %dma_start3A_18] : memref<4x128x64xf32, #tpu.memory_space<vmem>> -> memref<1x128x64xf32, #tpu.memory_space<vmem>>
      %dma_start3A_20 = tpu.memref_squeeze %dma_start3A_19 : memref<1x128x64xf32, #tpu.memory_space<vmem>> -> memref<128x64xf32, #tpu.memory_space<vmem>>
      %dma_start3A_21 = arith.constant 0 : i32
      %dma_start3A_22 = tpu.memref_slice %arg8[%dma_start3A, %dma_start3A_21] : memref<160x128xi32, #tpu.memory_space<vmem>> -> memref<1x128xi32, #tpu.memory_space<vmem>>
      %dma_start3A_23 = tpu.memref_squeeze %dma_start3A_22 : memref<1x128xi32, #tpu.memory_space<vmem>> -> memref<128xi32, #tpu.memory_space<vmem>>
      %dma_start3A_24 = arith.constant 0 : i32
      %dma_start3A_25 = arith.constant 0 : i32
      %dma_start3A_26 = tpu.memref_slice %arg4[%dma_start3A_24, %dma_start3A_25] : memref<10000x64xf32, #tpu.memory_space<hbm>> -> memref<10000x64xf32, #tpu.memory_space<hbm>>
      tpu.enqueue_indirect_dma source(%dma_start3A_26 : memref<10000x64xf32, #tpu.memory_space<hbm>>) target(%dma_start3A_20 : memref<128x64xf32, #tpu.memory_space<vmem>>) offsets(%dma_start3A_23 : memref<128xi32, #tpu.memory_space<vmem>>) semaphore(%arg15 : memref<!tpu.dma_semaphore, #tpu.memory_space<semaphore_mem>>)
      %dma_start3A_27 = arith.constant 1 : i32
      %dma_start3A_28 = arith.constant 1 : i32
      %dma_start3A_29 = arith.constant 0 : i32
      %dma_start3A_30 = arith.constant 0 : i32
      %dma_start3A_31 = tpu.memref_slice %arg10[%dma_start3A_28, %dma_start3A_29, %dma_start3A_30] : memref<4x128x64xf32, #tpu.memory_space<vmem>> -> memref<1x128x64xf32, #tpu.memory_space<vmem>>
      %dma_start3A_32 = tpu.memref_squeeze %dma_start3A_31 : memref<1x128x64xf32, #tpu.memory_space<vmem>> -> memref<128x64xf32, #tpu.memory_space<vmem>>
      %dma_start3A_33 = arith.constant 0 : i32
      %dma_start3A_34 = tpu.memref_slice %arg8[%dma_start3A_27, %dma_start3A_33] : memref<160x128xi32, #tpu.memory_space<vmem>> -> memref<1x128xi32, #tpu.memory_space<vmem>>
      %dma_start3A_35 = tpu.memref_squeeze %dma_start3A_34 : memref<1x128xi32, #tpu.memory_space<vmem>> -> memref<128xi32, #tpu.memory_space<vmem>>
      %dma_start3A_36 = arith.constant 0 : i32
      %dma_start3A_37 = arith.constant 0 : i32
      %dma_start3A_38 = tpu.memref_slice %arg4[%dma_start3A_36, %dma_start3A_37] : memref<10000x64xf32, #tpu.memory_space<hbm>> -> memref<10000x64xf32, #tpu.memory_space<hbm>>
      tpu.enqueue_indirect_dma source(%dma_start3A_38 : memref<10000x64xf32, #tpu.memory_space<hbm>>) target(%dma_start3A_32 : memref<128x64xf32, #tpu.memory_space<vmem>>) offsets(%dma_start3A_35 : memref<128xi32, #tpu.memory_space<vmem>>) semaphore(%arg16 : memref<!tpu.dma_semaphore, #tpu.memory_space<semaphore_mem>>)
      %dma_start3A_39 = arith.constant 2 : i32
      %dma_start3A_40 = arith.constant 2 : i32
      %dma_start3A_41 = arith.constant 0 : i32
      %dma_start3A_42 = arith.constant 0 : i32
      %dma_start3A_43 = tpu.memref_slice %arg10[%dma_start3A_40, %dma_start3A_41, %dma_start3A_42] : memref<4x128x64xf32, #tpu.memory_space<vmem>> -> memref<1x128x64xf32, #tpu.memory_space<vmem>>
      %dma_start3A_44 = tpu.memref_squeeze %dma_start3A_43 : memref<1x128x64xf32, #tpu.memory_space<vmem>> -> memref<128x64xf32, #tpu.memory_space<vmem>>
      %dma_start3A_45 = arith.constant 0 : i32
      %dma_start3A_46 = tpu.memref_slice %arg8[%dma_start3A_39, %dma_start3A_45] : memref<160x128xi32, #tpu.memory_space<vmem>> -> memref<1x128xi32, #tpu.memory_space<vmem>>
      %dma_start3A_47 = tpu.memref_squeeze %dma_start3A_46 : memref<1x128xi32, #tpu.memory_space<vmem>> -> memref<128xi32, #tpu.memory_space<vmem>>
      %dma_start3A_48 = arith.constant 0 : i32
      %dma_start3A_49 = arith.constant 0 : i32
      %dma_start3A_50 = tpu.memref_slice %arg4[%dma_start3A_48, %dma_start3A_49] : memref<10000x64xf32, #tpu.memory_space<hbm>> -> memref<10000x64xf32, #tpu.memory_space<hbm>>
      tpu.enqueue_indirect_dma source(%dma_start3A_50 : memref<10000x64xf32, #tpu.memory_space<hbm>>) target(%dma_start3A_44 : memref<128x64xf32, #tpu.memory_space<vmem>>) offsets(%dma_start3A_47 : memref<128xi32, #tpu.memory_space<vmem>>) semaphore(%arg17 : memref<!tpu.dma_semaphore, #tpu.memory_space<semaphore_mem>>)
      %dma_start3A_51 = arith.constant 3 : i32
      %dma_start3A_52 = arith.constant 3 : i32
      %dma_start3A_53 = arith.constant 0 : i32
      %dma_start3A_54 = arith.constant 0 : i32
      %dma_start3A_55 = tpu.memref_slice %arg10[%dma_start3A_52, %dma_start3A_53, %dma_start3A_54] : memref<4x128x64xf32, #tpu.memory_space<vmem>> -> memref<1x128x64xf32, #tpu.memory_space<vmem>>
      %dma_start3A_56 = tpu.memref_squeeze %dma_start3A_55 : memref<1x128x64xf32, #tpu.memory_space<vmem>> -> memref<128x64xf32, #tpu.memory_space<vmem>>
      %dma_start3A_57 = arith.constant 0 : i32
      %dma_start3A_58 = tpu.memref_slice %arg8[%dma_start3A_51, %dma_start3A_57] : memref<160x128xi32, #tpu.memory_space<vmem>> -> memref<1x128xi32, #tpu.memory_space<vmem>>
      %dma_start3A_59 = tpu.memref_squeeze %dma_start3A_58 : memref<1x128xi32, #tpu.memory_space<vmem>> -> memref<128xi32, #tpu.memory_space<vmem>>
      %dma_start3A_60 = arith.constant 0 : i32
      %dma_start3A_61 = arith.constant 0 : i32
      %dma_start3A_62 = tpu.memref_slice %arg4[%dma_start3A_60, %dma_start3A_61] : memref<10000x64xf32, #tpu.memory_space<hbm>> -> memref<10000x64xf32, #tpu.memory_space<hbm>>
      tpu.enqueue_indirect_dma source(%dma_start3A_62 : memref<10000x64xf32, #tpu.memory_space<hbm>>) target(%dma_start3A_56 : memref<128x64xf32, #tpu.memory_space<vmem>>) offsets(%dma_start3A_59 : memref<128xi32, #tpu.memory_space<vmem>>) semaphore(%arg18 : memref<!tpu.dma_semaphore, #tpu.memory_space<semaphore_mem>>)
      %scan3A = arith.constant 0 : i32
      %scan3A_63 = arith.constant 0 : i32
      %scan3A_64 = arith.constant 40 : i32
      %scan3A_65 = arith.addi %scan3A_63, %scan3A_64 : i32
      %scan3A_66 = arith.constant 1 : i32
      scf.for %scan3A_68 = %scan3A_63 to %scan3A_65 step %scan3A_66  : i32 {
        %mul3A_69 = arith.constant 4 : i32
        %mul3A_70 = arith.muli %scan3A_68, %mul3A_69 : i32
        %add3A = arith.constant 0 : i32
        %add3A_71 = arith.addi %mul3A_70, %add3A : i32
        %dma_wait3A = arith.constant 0 : i32
        %dma_wait3A_72 = arith.constant 0 : i32
        %dma_wait3A_73 = arith.constant 0 : i32
        %dma_wait3A_74 = tpu.memref_slice %arg10[%dma_wait3A, %dma_wait3A_72, %dma_wait3A_73] : memref<4x128x64xf32, #tpu.memory_space<vmem>> -> memref<1x128x64xf32, #tpu.memory_space<vmem>>
        %dma_wait3A_75 = tpu.memref_squeeze %dma_wait3A_74 : memref<1x128x64xf32, #tpu.memory_space<vmem>> -> memref<128x64xf32, #tpu.memory_space<vmem>>
        %dma_wait3A_76 = arith.constant 0 : i32
        %dma_wait3A_77 = arith.constant 0 : i32
        %dma_wait3A_78 = tpu.memref_slice %arg4[%dma_wait3A_76, %dma_wait3A_77] : memref<10000x64xf32, #tpu.memory_space<hbm>> -> memref<128x64xf32, #tpu.memory_space<hbm>>
        %dma_wait3A_79 = arith.constant 0 : i32
        %dma_wait3A_80 = arith.constant 0 : i32
        %dma_wait3A_81 = tpu.memref_slice %arg10[%dma_wait3A, %dma_wait3A_79, %dma_wait3A_80] : memref<4x128x64xf32, #tpu.memory_space<vmem>> -> memref<1x128x64xf32, #tpu.memory_space<vmem>>
        %dma_wait3A_82 = tpu.memref_squeeze %dma_wait3A_81 : memref<1x128x64xf32, #tpu.memory_space<vmem>> -> memref<128x64xf32, #tpu.memory_space<vmem>>
        %dma_wait3A_83 = arith.constant 0 : i32
        %dma_wait3A_84 = arith.constant 0 : i32
        %dma_wait3A_85 = tpu.memref_slice %arg4[%dma_wait3A_83, %dma_wait3A_84] : memref<10000x64xf32, #tpu.memory_space<hbm>> -> memref<128x64xf32, #tpu.memory_space<hbm>>
        tpu.wait_dma2 semaphore(%arg15 : memref<!tpu.dma_semaphore, #tpu.memory_space<semaphore_mem>>) src(%dma_wait3A_85 : memref<128x64xf32, #tpu.memory_space<hbm>>) dst(%dma_wait3A_82 : memref<128x64xf32, #tpu.memory_space<vmem>>)
        %run_scoped3A = arith.constant 0 : i32
        "tpu.region"() ({
          %run_scoped3A_173 = tpu.sem_alloc : memref<!tpu.dma_semaphore, #tpu.memory_space<semaphore_mem>>
          %dma_start3A_174 = arith.constant 0 : i32
          %dma_start3A_175 = arith.constant 0 : i32
          %dma_start3A_176 = tpu.memref_slice %arg10[%run_scoped3A, %dma_start3A_174, %dma_start3A_175] : memref<4x128x64xf32, #tpu.memory_space<vmem>> -> memref<1x128x64xf32, #tpu.memory_space<vmem>>
          %dma_start3A_177 = tpu.memref_squeeze %dma_start3A_176 : memref<1x128x64xf32, #tpu.memory_space<vmem>> -> memref<128x64xf32, #tpu.memory_space<vmem>>
          %dma_start3A_178 = arith.constant 0 : i32
          %dma_start3A_179 = tpu.memref_slice %arg9[%add3A_71, %dma_start3A_178] : memref<160x128xi32, #tpu.memory_space<vmem>> -> memref<1x128xi32, #tpu.memory_space<vmem>>
          %dma_start3A_180 = tpu.memref_squeeze %dma_start3A_179 : memref<1x128xi32, #tpu.memory_space<vmem>> -> memref<128xi32, #tpu.memory_space<vmem>>
          %dma_start3A_181 = arith.constant 0 : i32
          %dma_start3A_182 = arith.constant 0 : i32
          %dma_start3A_183 = tpu.memref_slice %arg13[%dma_start3A_181, %dma_start3A_182] : memref<10112x64xf32, #tpu.memory_space<vmem_shared>> -> memref<10112x64xf32, #tpu.memory_space<vmem_shared>>
          tpu.enqueue_indirect_dma source(%dma_start3A_177 : memref<128x64xf32, #tpu.memory_space<vmem>>) target(%dma_start3A_183 : memref<10112x64xf32, #tpu.memory_space<vmem_shared>>) offsets(%dma_start3A_180 : memref<128xi32, #tpu.memory_space<vmem>>) semaphore(%run_scoped3A_173 : memref<!tpu.dma_semaphore, #tpu.memory_space<semaphore_mem>>) {add = true}
          %dma_wait3A_184 = arith.constant 0 : i32
          %dma_wait3A_185 = arith.constant 0 : i32
          %dma_wait3A_186 = tpu.memref_slice %arg10[%run_scoped3A, %dma_wait3A_184, %dma_wait3A_185] : memref<4x128x64xf32, #tpu.memory_space<vmem>> -> memref<1x128x64xf32, #tpu.memory_space<vmem>>
          %dma_wait3A_187 = tpu.memref_squeeze %dma_wait3A_186 : memref<1x128x64xf32, #tpu.memory_space<vmem>> -> memref<128x64xf32, #tpu.memory_space<vmem>>
          %dma_wait3A_188 = arith.constant 0 : i32
          %dma_wait3A_189 = tpu.memref_slice %arg9[%add3A_71, %dma_wait3A_188] : memref<160x128xi32, #tpu.memory_space<vmem>> -> memref<1x128xi32, #tpu.memory_space<vmem>>
          %dma_wait3A_190 = tpu.memref_squeeze %dma_wait3A_189 : memref<1x128xi32, #tpu.memory_space<vmem>> -> memref<128xi32, #tpu.memory_space<vmem>>
          %dma_wait3A_191 = arith.constant 0 : i32
          %dma_wait3A_192 = arith.constant 0 : i32
          %dma_wait3A_193 = tpu.memref_slice %arg13[%dma_wait3A_191, %dma_wait3A_192] : memref<10112x64xf32, #tpu.memory_space<vmem_shared>> -> memref<10112x64xf32, #tpu.memory_space<vmem_shared>>
          tpu.wait_indirect_dma semaphore(%run_scoped3A_173 : memref<!tpu.dma_semaphore, #tpu.memory_space<semaphore_mem>>) src(%dma_wait3A_187 : memref<128x64xf32, #tpu.memory_space<vmem>>) dst(%dma_wait3A_193 : memref<10112x64xf32, #tpu.memory_space<vmem_shared>>)
          tpu.yield
        }) : () -> ()
        "tpu.region"() ({
          %run_scoped3A_173 = tpu.sem_alloc : memref<!tpu.dma_semaphore, #tpu.memory_space<semaphore_mem>>
          %dma_start3A_174 = arith.constant 0 : i32
          %dma_start3A_175 = tpu.memref_slice %arg9[%add3A_71, %dma_start3A_174] : memref<160x128xi32, #tpu.memory_space<vmem>> -> memref<1x128xi32, #tpu.memory_space<vmem>>
          %dma_start3A_176 = tpu.memref_squeeze %dma_start3A_175 : memref<1x128xi32, #tpu.memory_space<vmem>> -> memref<128xi32, #tpu.memory_space<vmem>>
          %dma_start3A_177 = arith.constant 0 : i32
          %dma_start3A_178 = tpu.memref_slice %arg14[%dma_start3A_177] : memref<10112xf32, #tpu.memory_space<vmem_shared>> -> memref<10112xf32, #tpu.memory_space<vmem_shared>>
          tpu.enqueue_indirect_dma source(%arg11 : memref<128xf32, #tpu.memory_space<vmem>>) target(%dma_start3A_178 : memref<10112xf32, #tpu.memory_space<vmem_shared>>) offsets(%dma_start3A_176 : memref<128xi32, #tpu.memory_space<vmem>>) semaphore(%run_scoped3A_173 : memref<!tpu.dma_semaphore, #tpu.memory_space<semaphore_mem>>) {add = true}
          %dma_wait3A_179 = arith.constant 0 : i32
          %dma_wait3A_180 = tpu.memref_slice %arg9[%add3A_71, %dma_wait3A_179] : memref<160x128xi32, #tpu.memory_space<vmem>> -> memref<1x128xi32, #tpu.memory_space<vmem>>
          %dma_wait3A_181 = tpu.memref_squeeze %dma_wait3A_180 : memref<1x128xi32, #tpu.memory_space<vmem>> -> memref<128xi32, #tpu.memory_space<vmem>>
          %dma_wait3A_182 = arith.constant 0 : i32
          %dma_wait3A_183 = tpu.memref_slice %arg14[%dma_wait3A_182] : memref<10112xf32, #tpu.memory_space<vmem_shared>> -> memref<10112xf32, #tpu.memory_space<vmem_shared>>
          tpu.wait_indirect_dma semaphore(%run_scoped3A_173 : memref<!tpu.dma_semaphore, #tpu.memory_space<semaphore_mem>>) src(%arg11 : memref<128xf32, #tpu.memory_space<vmem>>) dst(%dma_wait3A_183 : memref<10112xf32, #tpu.memory_space<vmem_shared>>)
          tpu.yield
        }) : () -> ()
        %add3A_86 = arith.constant 4 : i32
        %add3A_87 = arith.addi %add3A_71, %add3A_86 : i32
        %lt3A = arith.constant 160 : i32
        %lt3A_88 = arith.cmpi slt, %add3A_87, %lt3A : i32
        %convert_element_type3A_89 = arith.extui %lt3A_88 : i1 to i32
        %cond3A_90 = arith.constant 0 : i32
        %cond3A_91 = arith.cmpi ne, %convert_element_type3A_89, %cond3A_90 : i32
        scf.if %cond3A_91 {
          %add3A_173 = arith.constant 4 : i32
          %add3A_174 = arith.addi %add3A_71, %add3A_173 : i32
          %dma_start3A_175 = arith.constant 0 : i32
          %dma_start3A_176 = arith.constant 0 : i32
          %dma_start3A_177 = arith.constant 0 : i32
          %dma_start3A_178 = tpu.memref_slice %arg10[%dma_start3A_175, %dma_start3A_176, %dma_start3A_177] : memref<4x128x64xf32, #tpu.memory_space<vmem>> -> memref<1x128x64xf32, #tpu.memory_space<vmem>>
          %dma_start3A_179 = tpu.memref_squeeze %dma_start3A_178 : memref<1x128x64xf32, #tpu.memory_space<vmem>> -> memref<128x64xf32, #tpu.memory_space<vmem>>
          %dma_start3A_180 = arith.constant 0 : i32
          %dma_start3A_181 = tpu.memref_slice %arg8[%add3A_174, %dma_start3A_180] : memref<160x128xi32, #tpu.memory_space<vmem>> -> memref<1x128xi32, #tpu.memory_space<vmem>>
          %dma_start3A_182 = tpu.memref_squeeze %dma_start3A_181 : memref<1x128xi32, #tpu.memory_space<vmem>> -> memref<128xi32, #tpu.memory_space<vmem>>
          %dma_start3A_183 = arith.constant 0 : i32
          %dma_start3A_184 = arith.constant 0 : i32
          %dma_start3A_185 = tpu.memref_slice %arg4[%dma_start3A_183, %dma_start3A_184] : memref<10000x64xf32, #tpu.memory_space<hbm>> -> memref<10000x64xf32, #tpu.memory_space<hbm>>
          tpu.enqueue_indirect_dma source(%dma_start3A_185 : memref<10000x64xf32, #tpu.memory_space<hbm>>) target(%dma_start3A_179 : memref<128x64xf32, #tpu.memory_space<vmem>>) offsets(%dma_start3A_182 : memref<128xi32, #tpu.memory_space<vmem>>) semaphore(%arg15 : memref<!tpu.dma_semaphore, #tpu.memory_space<semaphore_mem>>)
        } else {
        }
        %mul3A_92 = arith.constant 4 : i32
        %mul3A_93 = arith.muli %scan3A_68, %mul3A_92 : i32
        %add3A_94 = arith.constant 1 : i32
        %add3A_95 = arith.addi %mul3A_93, %add3A_94 : i32
        %dma_wait3A_96 = arith.constant 1 : i32
        %dma_wait3A_97 = arith.constant 0 : i32
        %dma_wait3A_98 = arith.constant 0 : i32
        %dma_wait3A_99 = tpu.memref_slice %arg10[%dma_wait3A_96, %dma_wait3A_97, %dma_wait3A_98] : memref<4x128x64xf32, #tpu.memory_space<vmem>> -> memref<1x128x64xf32, #tpu.memory_space<vmem>>
        %dma_wait3A_100 = tpu.memref_squeeze %dma_wait3A_99 : memref<1x128x64xf32, #tpu.memory_space<vmem>> -> memref<128x64xf32, #tpu.memory_space<vmem>>
        %dma_wait3A_101 = arith.constant 0 : i32
        %dma_wait3A_102 = arith.constant 0 : i32
        %dma_wait3A_103 = tpu.memref_slice %arg4[%dma_wait3A_101, %dma_wait3A_102] : memref<10000x64xf32, #tpu.memory_space<hbm>> -> memref<128x64xf32, #tpu.memory_space<hbm>>
        %dma_wait3A_104 = arith.constant 0 : i32
        %dma_wait3A_105 = arith.constant 0 : i32
        %dma_wait3A_106 = tpu.memref_slice %arg10[%dma_wait3A_96, %dma_wait3A_104, %dma_wait3A_105] : memref<4x128x64xf32, #tpu.memory_space<vmem>> -> memref<1x128x64xf32, #tpu.memory_space<vmem>>
        %dma_wait3A_107 = tpu.memref_squeeze %dma_wait3A_106 : memref<1x128x64xf32, #tpu.memory_space<vmem>> -> memref<128x64xf32, #tpu.memory_space<vmem>>
        %dma_wait3A_108 = arith.constant 0 : i32
        %dma_wait3A_109 = arith.constant 0 : i32
        %dma_wait3A_110 = tpu.memref_slice %arg4[%dma_wait3A_108, %dma_wait3A_109] : memref<10000x64xf32, #tpu.memory_space<hbm>> -> memref<128x64xf32, #tpu.memory_space<hbm>>
        tpu.wait_dma2 semaphore(%arg16 : memref<!tpu.dma_semaphore, #tpu.memory_space<semaphore_mem>>) src(%dma_wait3A_110 : memref<128x64xf32, #tpu.memory_space<hbm>>) dst(%dma_wait3A_107 : memref<128x64xf32, #tpu.memory_space<vmem>>)
        %run_scoped3A_111 = arith.constant 1 : i32
        "tpu.region"() ({
          %run_scoped3A_173 = tpu.sem_alloc : memref<!tpu.dma_semaphore, #tpu.memory_space<semaphore_mem>>
          %dma_start3A_174 = arith.constant 0 : i32
          %dma_start3A_175 = arith.constant 0 : i32
          %dma_start3A_176 = tpu.memref_slice %arg10[%run_scoped3A_111, %dma_start3A_174, %dma_start3A_175] : memref<4x128x64xf32, #tpu.memory_space<vmem>> -> memref<1x128x64xf32, #tpu.memory_space<vmem>>
          %dma_start3A_177 = tpu.memref_squeeze %dma_start3A_176 : memref<1x128x64xf32, #tpu.memory_space<vmem>> -> memref<128x64xf32, #tpu.memory_space<vmem>>
          %dma_start3A_178 = arith.constant 0 : i32
          %dma_start3A_179 = tpu.memref_slice %arg9[%add3A_95, %dma_start3A_178] : memref<160x128xi32, #tpu.memory_space<vmem>> -> memref<1x128xi32, #tpu.memory_space<vmem>>
          %dma_start3A_180 = tpu.memref_squeeze %dma_start3A_179 : memref<1x128xi32, #tpu.memory_space<vmem>> -> memref<128xi32, #tpu.memory_space<vmem>>
          %dma_start3A_181 = arith.constant 0 : i32
          %dma_start3A_182 = arith.constant 0 : i32
          %dma_start3A_183 = tpu.memref_slice %arg13[%dma_start3A_181, %dma_start3A_182] : memref<10112x64xf32, #tpu.memory_space<vmem_shared>> -> memref<10112x64xf32, #tpu.memory_space<vmem_shared>>
          tpu.enqueue_indirect_dma source(%dma_start3A_177 : memref<128x64xf32, #tpu.memory_space<vmem>>) target(%dma_start3A_183 : memref<10112x64xf32, #tpu.memory_space<vmem_shared>>) offsets(%dma_start3A_180 : memref<128xi32, #tpu.memory_space<vmem>>) semaphore(%run_scoped3A_173 : memref<!tpu.dma_semaphore, #tpu.memory_space<semaphore_mem>>) {add = true}
          %dma_wait3A_184 = arith.constant 0 : i32
          %dma_wait3A_185 = arith.constant 0 : i32
          %dma_wait3A_186 = tpu.memref_slice %arg10[%run_scoped3A_111, %dma_wait3A_184, %dma_wait3A_185] : memref<4x128x64xf32, #tpu.memory_space<vmem>> -> memref<1x128x64xf32, #tpu.memory_space<vmem>>
          %dma_wait3A_187 = tpu.memref_squeeze %dma_wait3A_186 : memref<1x128x64xf32, #tpu.memory_space<vmem>> -> memref<128x64xf32, #tpu.memory_space<vmem>>
          %dma_wait3A_188 = arith.constant 0 : i32
          %dma_wait3A_189 = tpu.memref_slice %arg9[%add3A_95, %dma_wait3A_188] : memref<160x128xi32, #tpu.memory_space<vmem>> -> memref<1x128xi32, #tpu.memory_space<vmem>>
          %dma_wait3A_190 = tpu.memref_squeeze %dma_wait3A_189 : memref<1x128xi32, #tpu.memory_space<vmem>> -> memref<128xi32, #tpu.memory_space<vmem>>
          %dma_wait3A_191 = arith.constant 0 : i32
          %dma_wait3A_192 = arith.constant 0 : i32
          %dma_wait3A_193 = tpu.memref_slice %arg13[%dma_wait3A_191, %dma_wait3A_192] : memref<10112x64xf32, #tpu.memory_space<vmem_shared>> -> memref<10112x64xf32, #tpu.memory_space<vmem_shared>>
          tpu.wait_indirect_dma semaphore(%run_scoped3A_173 : memref<!tpu.dma_semaphore, #tpu.memory_space<semaphore_mem>>) src(%dma_wait3A_187 : memref<128x64xf32, #tpu.memory_space<vmem>>) dst(%dma_wait3A_193 : memref<10112x64xf32, #tpu.memory_space<vmem_shared>>)
          tpu.yield
        }) : () -> ()
        "tpu.region"() ({
          %run_scoped3A_173 = tpu.sem_alloc : memref<!tpu.dma_semaphore, #tpu.memory_space<semaphore_mem>>
          %dma_start3A_174 = arith.constant 0 : i32
          %dma_start3A_175 = tpu.memref_slice %arg9[%add3A_95, %dma_start3A_174] : memref<160x128xi32, #tpu.memory_space<vmem>> -> memref<1x128xi32, #tpu.memory_space<vmem>>
          %dma_start3A_176 = tpu.memref_squeeze %dma_start3A_175 : memref<1x128xi32, #tpu.memory_space<vmem>> -> memref<128xi32, #tpu.memory_space<vmem>>
          %dma_start3A_177 = arith.constant 0 : i32
          %dma_start3A_178 = tpu.memref_slice %arg14[%dma_start3A_177] : memref<10112xf32, #tpu.memory_space<vmem_shared>> -> memref<10112xf32, #tpu.memory_space<vmem_shared>>
          tpu.enqueue_indirect_dma source(%arg11 : memref<128xf32, #tpu.memory_space<vmem>>) target(%dma_start3A_178 : memref<10112xf32, #tpu.memory_space<vmem_shared>>) offsets(%dma_start3A_176 : memref<128xi32, #tpu.memory_space<vmem>>) semaphore(%run_scoped3A_173 : memref<!tpu.dma_semaphore, #tpu.memory_space<semaphore_mem>>) {add = true}
          %dma_wait3A_179 = arith.constant 0 : i32
          %dma_wait3A_180 = tpu.memref_slice %arg9[%add3A_95, %dma_wait3A_179] : memref<160x128xi32, #tpu.memory_space<vmem>> -> memref<1x128xi32, #tpu.memory_space<vmem>>
          %dma_wait3A_181 = tpu.memref_squeeze %dma_wait3A_180 : memref<1x128xi32, #tpu.memory_space<vmem>> -> memref<128xi32, #tpu.memory_space<vmem>>
          %dma_wait3A_182 = arith.constant 0 : i32
          %dma_wait3A_183 = tpu.memref_slice %arg14[%dma_wait3A_182] : memref<10112xf32, #tpu.memory_space<vmem_shared>> -> memref<10112xf32, #tpu.memory_space<vmem_shared>>
          tpu.wait_indirect_dma semaphore(%run_scoped3A_173 : memref<!tpu.dma_semaphore, #tpu.memory_space<semaphore_mem>>) src(%arg11 : memref<128xf32, #tpu.memory_space<vmem>>) dst(%dma_wait3A_183 : memref<10112xf32, #tpu.memory_space<vmem_shared>>)
          tpu.yield
        }) : () -> ()
        %add3A_112 = arith.constant 4 : i32
        %add3A_113 = arith.addi %add3A_95, %add3A_112 : i32
        %lt3A_114 = arith.constant 160 : i32
        %lt3A_115 = arith.cmpi slt, %add3A_113, %lt3A_114 : i32
        %convert_element_type3A_116 = arith.extui %lt3A_115 : i1 to i32
        %cond3A_117 = arith.constant 0 : i32
        %cond3A_118 = arith.cmpi ne, %convert_element_type3A_116, %cond3A_117 : i32
        scf.if %cond3A_118 {
          %add3A_173 = arith.constant 4 : i32
          %add3A_174 = arith.addi %add3A_95, %add3A_173 : i32
          %dma_start3A_175 = arith.constant 1 : i32
          %dma_start3A_176 = arith.constant 0 : i32
          %dma_start3A_177 = arith.constant 0 : i32
          %dma_start3A_178 = tpu.memref_slice %arg10[%dma_start3A_175, %dma_start3A_176, %dma_start3A_177] : memref<4x128x64xf32, #tpu.memory_space<vmem>> -> memref<1x128x64xf32, #tpu.memory_space<vmem>>
          %dma_start3A_179 = tpu.memref_squeeze %dma_start3A_178 : memref<1x128x64xf32, #tpu.memory_space<vmem>> -> memref<128x64xf32, #tpu.memory_space<vmem>>
          %dma_start3A_180 = arith.constant 0 : i32
          %dma_start3A_181 = tpu.memref_slice %arg8[%add3A_174, %dma_start3A_180] : memref<160x128xi32, #tpu.memory_space<vmem>> -> memref<1x128xi32, #tpu.memory_space<vmem>>
          %dma_start3A_182 = tpu.memref_squeeze %dma_start3A_181 : memref<1x128xi32, #tpu.memory_space<vmem>> -> memref<128xi32, #tpu.memory_space<vmem>>
          %dma_start3A_183 = arith.constant 0 : i32
          %dma_start3A_184 = arith.constant 0 : i32
          %dma_start3A_185 = tpu.memref_slice %arg4[%dma_start3A_183, %dma_start3A_184] : memref<10000x64xf32, #tpu.memory_space<hbm>> -> memref<10000x64xf32, #tpu.memory_space<hbm>>
          tpu.enqueue_indirect_dma source(%dma_start3A_185 : memref<10000x64xf32, #tpu.memory_space<hbm>>) target(%dma_start3A_179 : memref<128x64xf32, #tpu.memory_space<vmem>>) offsets(%dma_start3A_182 : memref<128xi32, #tpu.memory_space<vmem>>) semaphore(%arg16 : memref<!tpu.dma_semaphore, #tpu.memory_space<semaphore_mem>>)
        } else {
        }
        %mul3A_119 = arith.constant 4 : i32
        %mul3A_120 = arith.muli %scan3A_68, %mul3A_119 : i32
        %add3A_121 = arith.constant 2 : i32
        %add3A_122 = arith.addi %mul3A_120, %add3A_121 : i32
        %dma_wait3A_123 = arith.constant 2 : i32
        %dma_wait3A_124 = arith.constant 0 : i32
        %dma_wait3A_125 = arith.constant 0 : i32
        %dma_wait3A_126 = tpu.memref_slice %arg10[%dma_wait3A_123, %dma_wait3A_124, %dma_wait3A_125] : memref<4x128x64xf32, #tpu.memory_space<vmem>> -> memref<1x128x64xf32, #tpu.memory_space<vmem>>
        %dma_wait3A_127 = tpu.memref_squeeze %dma_wait3A_126 : memref<1x128x64xf32, #tpu.memory_space<vmem>> -> memref<128x64xf32, #tpu.memory_space<vmem>>
        %dma_wait3A_128 = arith.constant 0 : i32
        %dma_wait3A_129 = arith.constant 0 : i32
        %dma_wait3A_130 = tpu.memref_slice %arg4[%dma_wait3A_128, %dma_wait3A_129] : memref<10000x64xf32, #tpu.memory_space<hbm>> -> memref<128x64xf32, #tpu.memory_space<hbm>>
        %dma_wait3A_131 = arith.constant 0 : i32
        %dma_wait3A_132 = arith.constant 0 : i32
        %dma_wait3A_133 = tpu.memref_slice %arg10[%dma_wait3A_123, %dma_wait3A_131, %dma_wait3A_132] : memref<4x128x64xf32, #tpu.memory_space<vmem>> -> memref<1x128x64xf32, #tpu.memory_space<vmem>>
        %dma_wait3A_134 = tpu.memref_squeeze %dma_wait3A_133 : memref<1x128x64xf32, #tpu.memory_space<vmem>> -> memref<128x64xf32, #tpu.memory_space<vmem>>
        %dma_wait3A_135 = arith.constant 0 : i32
        %dma_wait3A_136 = arith.constant 0 : i32
        %dma_wait3A_137 = tpu.memref_slice %arg4[%dma_wait3A_135, %dma_wait3A_136] : memref<10000x64xf32, #tpu.memory_space<hbm>> -> memref<128x64xf32, #tpu.memory_space<hbm>>
        tpu.wait_dma2 semaphore(%arg17 : memref<!tpu.dma_semaphore, #tpu.memory_space<semaphore_mem>>) src(%dma_wait3A_137 : memref<128x64xf32, #tpu.memory_space<hbm>>) dst(%dma_wait3A_134 : memref<128x64xf32, #tpu.memory_space<vmem>>)
        %run_scoped3A_138 = arith.constant 2 : i32
        "tpu.region"() ({
          %run_scoped3A_173 = tpu.sem_alloc : memref<!tpu.dma_semaphore, #tpu.memory_space<semaphore_mem>>
          %dma_start3A_174 = arith.constant 0 : i32
          %dma_start3A_175 = arith.constant 0 : i32
          %dma_start3A_176 = tpu.memref_slice %arg10[%run_scoped3A_138, %dma_start3A_174, %dma_start3A_175] : memref<4x128x64xf32, #tpu.memory_space<vmem>> -> memref<1x128x64xf32, #tpu.memory_space<vmem>>
          %dma_start3A_177 = tpu.memref_squeeze %dma_start3A_176 : memref<1x128x64xf32, #tpu.memory_space<vmem>> -> memref<128x64xf32, #tpu.memory_space<vmem>>
          %dma_start3A_178 = arith.constant 0 : i32
          %dma_start3A_179 = tpu.memref_slice %arg9[%add3A_122, %dma_start3A_178] : memref<160x128xi32, #tpu.memory_space<vmem>> -> memref<1x128xi32, #tpu.memory_space<vmem>>
          %dma_start3A_180 = tpu.memref_squeeze %dma_start3A_179 : memref<1x128xi32, #tpu.memory_space<vmem>> -> memref<128xi32, #tpu.memory_space<vmem>>
          %dma_start3A_181 = arith.constant 0 : i32
          %dma_start3A_182 = arith.constant 0 : i32
          %dma_start3A_183 = tpu.memref_slice %arg13[%dma_start3A_181, %dma_start3A_182] : memref<10112x64xf32, #tpu.memory_space<vmem_shared>> -> memref<10112x64xf32, #tpu.memory_space<vmem_shared>>
          tpu.enqueue_indirect_dma source(%dma_start3A_177 : memref<128x64xf32, #tpu.memory_space<vmem>>) target(%dma_start3A_183 : memref<10112x64xf32, #tpu.memory_space<vmem_shared>>) offsets(%dma_start3A_180 : memref<128xi32, #tpu.memory_space<vmem>>) semaphore(%run_scoped3A_173 : memref<!tpu.dma_semaphore, #tpu.memory_space<semaphore_mem>>) {add = true}
          %dma_wait3A_184 = arith.constant 0 : i32
          %dma_wait3A_185 = arith.constant 0 : i32
          %dma_wait3A_186 = tpu.memref_slice %arg10[%run_scoped3A_138, %dma_wait3A_184, %dma_wait3A_185] : memref<4x128x64xf32, #tpu.memory_space<vmem>> -> memref<1x128x64xf32, #tpu.memory_space<vmem>>
          %dma_wait3A_187 = tpu.memref_squeeze %dma_wait3A_186 : memref<1x128x64xf32, #tpu.memory_space<vmem>> -> memref<128x64xf32, #tpu.memory_space<vmem>>
          %dma_wait3A_188 = arith.constant 0 : i32
          %dma_wait3A_189 = tpu.memref_slice %arg9[%add3A_122, %dma_wait3A_188] : memref<160x128xi32, #tpu.memory_space<vmem>> -> memref<1x128xi32, #tpu.memory_space<vmem>>
          %dma_wait3A_190 = tpu.memref_squeeze %dma_wait3A_189 : memref<1x128xi32, #tpu.memory_space<vmem>> -> memref<128xi32, #tpu.memory_space<vmem>>
          %dma_wait3A_191 = arith.constant 0 : i32
          %dma_wait3A_192 = arith.constant 0 : i32
          %dma_wait3A_193 = tpu.memref_slice %arg13[%dma_wait3A_191, %dma_wait3A_192] : memref<10112x64xf32, #tpu.memory_space<vmem_shared>> -> memref<10112x64xf32, #tpu.memory_space<vmem_shared>>
          tpu.wait_indirect_dma semaphore(%run_scoped3A_173 : memref<!tpu.dma_semaphore, #tpu.memory_space<semaphore_mem>>) src(%dma_wait3A_187 : memref<128x64xf32, #tpu.memory_space<vmem>>) dst(%dma_wait3A_193 : memref<10112x64xf32, #tpu.memory_space<vmem_shared>>)
          tpu.yield
        }) : () -> ()
        "tpu.region"() ({
          %run_scoped3A_173 = tpu.sem_alloc : memref<!tpu.dma_semaphore, #tpu.memory_space<semaphore_mem>>
          %dma_start3A_174 = arith.constant 0 : i32
          %dma_start3A_175 = tpu.memref_slice %arg9[%add3A_122, %dma_start3A_174] : memref<160x128xi32, #tpu.memory_space<vmem>> -> memref<1x128xi32, #tpu.memory_space<vmem>>
          %dma_start3A_176 = tpu.memref_squeeze %dma_start3A_175 : memref<1x128xi32, #tpu.memory_space<vmem>> -> memref<128xi32, #tpu.memory_space<vmem>>
          %dma_start3A_177 = arith.constant 0 : i32
          %dma_start3A_178 = tpu.memref_slice %arg14[%dma_start3A_177] : memref<10112xf32, #tpu.memory_space<vmem_shared>> -> memref<10112xf32, #tpu.memory_space<vmem_shared>>
          tpu.enqueue_indirect_dma source(%arg11 : memref<128xf32, #tpu.memory_space<vmem>>) target(%dma_start3A_178 : memref<10112xf32, #tpu.memory_space<vmem_shared>>) offsets(%dma_start3A_176 : memref<128xi32, #tpu.memory_space<vmem>>) semaphore(%run_scoped3A_173 : memref<!tpu.dma_semaphore, #tpu.memory_space<semaphore_mem>>) {add = true}
          %dma_wait3A_179 = arith.constant 0 : i32
          %dma_wait3A_180 = tpu.memref_slice %arg9[%add3A_122, %dma_wait3A_179] : memref<160x128xi32, #tpu.memory_space<vmem>> -> memref<1x128xi32, #tpu.memory_space<vmem>>
          %dma_wait3A_181 = tpu.memref_squeeze %dma_wait3A_180 : memref<1x128xi32, #tpu.memory_space<vmem>> -> memref<128xi32, #tpu.memory_space<vmem>>
          %dma_wait3A_182 = arith.constant 0 : i32
          %dma_wait3A_183 = tpu.memref_slice %arg14[%dma_wait3A_182] : memref<10112xf32, #tpu.memory_space<vmem_shared>> -> memref<10112xf32, #tpu.memory_space<vmem_shared>>
          tpu.wait_indirect_dma semaphore(%run_scoped3A_173 : memref<!tpu.dma_semaphore, #tpu.memory_space<semaphore_mem>>) src(%arg11 : memref<128xf32, #tpu.memory_space<vmem>>) dst(%dma_wait3A_183 : memref<10112xf32, #tpu.memory_space<vmem_shared>>)
          tpu.yield
        }) : () -> ()
        %add3A_139 = arith.constant 4 : i32
        %add3A_140 = arith.addi %add3A_122, %add3A_139 : i32
        %lt3A_141 = arith.constant 160 : i32
        %lt3A_142 = arith.cmpi slt, %add3A_140, %lt3A_141 : i32
        %convert_element_type3A_143 = arith.extui %lt3A_142 : i1 to i32
        %cond3A_144 = arith.constant 0 : i32
        %cond3A_145 = arith.cmpi ne, %convert_element_type3A_143, %cond3A_144 : i32
        scf.if %cond3A_145 {
          %add3A_173 = arith.constant 4 : i32
          %add3A_174 = arith.addi %add3A_122, %add3A_173 : i32
          %dma_start3A_175 = arith.constant 2 : i32
          %dma_start3A_176 = arith.constant 0 : i32
          %dma_start3A_177 = arith.constant 0 : i32
          %dma_start3A_178 = tpu.memref_slice %arg10[%dma_start3A_175, %dma_start3A_176, %dma_start3A_177] : memref<4x128x64xf32, #tpu.memory_space<vmem>> -> memref<1x128x64xf32, #tpu.memory_space<vmem>>
          %dma_start3A_179 = tpu.memref_squeeze %dma_start3A_178 : memref<1x128x64xf32, #tpu.memory_space<vmem>> -> memref<128x64xf32, #tpu.memory_space<vmem>>
          %dma_start3A_180 = arith.constant 0 : i32
          %dma_start3A_181 = tpu.memref_slice %arg8[%add3A_174, %dma_start3A_180] : memref<160x128xi32, #tpu.memory_space<vmem>> -> memref<1x128xi32, #tpu.memory_space<vmem>>
          %dma_start3A_182 = tpu.memref_squeeze %dma_start3A_181 : memref<1x128xi32, #tpu.memory_space<vmem>> -> memref<128xi32, #tpu.memory_space<vmem>>
          %dma_start3A_183 = arith.constant 0 : i32
          %dma_start3A_184 = arith.constant 0 : i32
          %dma_start3A_185 = tpu.memref_slice %arg4[%dma_start3A_183, %dma_start3A_184] : memref<10000x64xf32, #tpu.memory_space<hbm>> -> memref<10000x64xf32, #tpu.memory_space<hbm>>
          tpu.enqueue_indirect_dma source(%dma_start3A_185 : memref<10000x64xf32, #tpu.memory_space<hbm>>) target(%dma_start3A_179 : memref<128x64xf32, #tpu.memory_space<vmem>>) offsets(%dma_start3A_182 : memref<128xi32, #tpu.memory_space<vmem>>) semaphore(%arg17 : memref<!tpu.dma_semaphore, #tpu.memory_space<semaphore_mem>>)
        } else {
        }
        %mul3A_146 = arith.constant 4 : i32
        %mul3A_147 = arith.muli %scan3A_68, %mul3A_146 : i32
        %add3A_148 = arith.constant 3 : i32
        %add3A_149 = arith.addi %mul3A_147, %add3A_148 : i32
        %dma_wait3A_150 = arith.constant 3 : i32
        %dma_wait3A_151 = arith.constant 0 : i32
        %dma_wait3A_152 = arith.constant 0 : i32
        %dma_wait3A_153 = tpu.memref_slice %arg10[%dma_wait3A_150, %dma_wait3A_151, %dma_wait3A_152] : memref<4x128x64xf32, #tpu.memory_space<vmem>> -> memref<1x128x64xf32, #tpu.memory_space<vmem>>
        %dma_wait3A_154 = tpu.memref_squeeze %dma_wait3A_153 : memref<1x128x64xf32, #tpu.memory_space<vmem>> -> memref<128x64xf32, #tpu.memory_space<vmem>>
        %dma_wait3A_155 = arith.constant 0 : i32
        %dma_wait3A_156 = arith.constant 0 : i32
        %dma_wait3A_157 = tpu.memref_slice %arg4[%dma_wait3A_155, %dma_wait3A_156] : memref<10000x64xf32, #tpu.memory_space<hbm>> -> memref<128x64xf32, #tpu.memory_space<hbm>>
        %dma_wait3A_158 = arith.constant 0 : i32
        %dma_wait3A_159 = arith.constant 0 : i32
        %dma_wait3A_160 = tpu.memref_slice %arg10[%dma_wait3A_150, %dma_wait3A_158, %dma_wait3A_159] : memref<4x128x64xf32, #tpu.memory_space<vmem>> -> memref<1x128x64xf32, #tpu.memory_space<vmem>>
        %dma_wait3A_161 = tpu.memref_squeeze %dma_wait3A_160 : memref<1x128x64xf32, #tpu.memory_space<vmem>> -> memref<128x64xf32, #tpu.memory_space<vmem>>
        %dma_wait3A_162 = arith.constant 0 : i32
        %dma_wait3A_163 = arith.constant 0 : i32
        %dma_wait3A_164 = tpu.memref_slice %arg4[%dma_wait3A_162, %dma_wait3A_163] : memref<10000x64xf32, #tpu.memory_space<hbm>> -> memref<128x64xf32, #tpu.memory_space<hbm>>
        tpu.wait_dma2 semaphore(%arg18 : memref<!tpu.dma_semaphore, #tpu.memory_space<semaphore_mem>>) src(%dma_wait3A_164 : memref<128x64xf32, #tpu.memory_space<hbm>>) dst(%dma_wait3A_161 : memref<128x64xf32, #tpu.memory_space<vmem>>)
        %run_scoped3A_165 = arith.constant 3 : i32
        "tpu.region"() ({
          %run_scoped3A_173 = tpu.sem_alloc : memref<!tpu.dma_semaphore, #tpu.memory_space<semaphore_mem>>
          %dma_start3A_174 = arith.constant 0 : i32
          %dma_start3A_175 = arith.constant 0 : i32
          %dma_start3A_176 = tpu.memref_slice %arg10[%run_scoped3A_165, %dma_start3A_174, %dma_start3A_175] : memref<4x128x64xf32, #tpu.memory_space<vmem>> -> memref<1x128x64xf32, #tpu.memory_space<vmem>>
          %dma_start3A_177 = tpu.memref_squeeze %dma_start3A_176 : memref<1x128x64xf32, #tpu.memory_space<vmem>> -> memref<128x64xf32, #tpu.memory_space<vmem>>
          %dma_start3A_178 = arith.constant 0 : i32
          %dma_start3A_179 = tpu.memref_slice %arg9[%add3A_149, %dma_start3A_178] : memref<160x128xi32, #tpu.memory_space<vmem>> -> memref<1x128xi32, #tpu.memory_space<vmem>>
          %dma_start3A_180 = tpu.memref_squeeze %dma_start3A_179 : memref<1x128xi32, #tpu.memory_space<vmem>> -> memref<128xi32, #tpu.memory_space<vmem>>
          %dma_start3A_181 = arith.constant 0 : i32
          %dma_start3A_182 = arith.constant 0 : i32
          %dma_start3A_183 = tpu.memref_slice %arg13[%dma_start3A_181, %dma_start3A_182] : memref<10112x64xf32, #tpu.memory_space<vmem_shared>> -> memref<10112x64xf32, #tpu.memory_space<vmem_shared>>
          tpu.enqueue_indirect_dma source(%dma_start3A_177 : memref<128x64xf32, #tpu.memory_space<vmem>>) target(%dma_start3A_183 : memref<10112x64xf32, #tpu.memory_space<vmem_shared>>) offsets(%dma_start3A_180 : memref<128xi32, #tpu.memory_space<vmem>>) semaphore(%run_scoped3A_173 : memref<!tpu.dma_semaphore, #tpu.memory_space<semaphore_mem>>) {add = true}
          %dma_wait3A_184 = arith.constant 0 : i32
          %dma_wait3A_185 = arith.constant 0 : i32
          %dma_wait3A_186 = tpu.memref_slice %arg10[%run_scoped3A_165, %dma_wait3A_184, %dma_wait3A_185] : memref<4x128x64xf32, #tpu.memory_space<vmem>> -> memref<1x128x64xf32, #tpu.memory_space<vmem>>
          %dma_wait3A_187 = tpu.memref_squeeze %dma_wait3A_186 : memref<1x128x64xf32, #tpu.memory_space<vmem>> -> memref<128x64xf32, #tpu.memory_space<vmem>>
          %dma_wait3A_188 = arith.constant 0 : i32
          %dma_wait3A_189 = tpu.memref_slice %arg9[%add3A_149, %dma_wait3A_188] : memref<160x128xi32, #tpu.memory_space<vmem>> -> memref<1x128xi32, #tpu.memory_space<vmem>>
          %dma_wait3A_190 = tpu.memref_squeeze %dma_wait3A_189 : memref<1x128xi32, #tpu.memory_space<vmem>> -> memref<128xi32, #tpu.memory_space<vmem>>
          %dma_wait3A_191 = arith.constant 0 : i32
          %dma_wait3A_192 = arith.constant 0 : i32
          %dma_wait3A_193 = tpu.memref_slice %arg13[%dma_wait3A_191, %dma_wait3A_192] : memref<10112x64xf32, #tpu.memory_space<vmem_shared>> -> memref<10112x64xf32, #tpu.memory_space<vmem_shared>>
          tpu.wait_indirect_dma semaphore(%run_scoped3A_173 : memref<!tpu.dma_semaphore, #tpu.memory_space<semaphore_mem>>) src(%dma_wait3A_187 : memref<128x64xf32, #tpu.memory_space<vmem>>) dst(%dma_wait3A_193 : memref<10112x64xf32, #tpu.memory_space<vmem_shared>>)
          tpu.yield
        }) : () -> ()
        "tpu.region"() ({
          %run_scoped3A_173 = tpu.sem_alloc : memref<!tpu.dma_semaphore, #tpu.memory_space<semaphore_mem>>
          %dma_start3A_174 = arith.constant 0 : i32
          %dma_start3A_175 = tpu.memref_slice %arg9[%add3A_149, %dma_start3A_174] : memref<160x128xi32, #tpu.memory_space<vmem>> -> memref<1x128xi32, #tpu.memory_space<vmem>>
          %dma_start3A_176 = tpu.memref_squeeze %dma_start3A_175 : memref<1x128xi32, #tpu.memory_space<vmem>> -> memref<128xi32, #tpu.memory_space<vmem>>
          %dma_start3A_177 = arith.constant 0 : i32
          %dma_start3A_178 = tpu.memref_slice %arg14[%dma_start3A_177] : memref<10112xf32, #tpu.memory_space<vmem_shared>> -> memref<10112xf32, #tpu.memory_space<vmem_shared>>
          tpu.enqueue_indirect_dma source(%arg11 : memref<128xf32, #tpu.memory_space<vmem>>) target(%dma_start3A_178 : memref<10112xf32, #tpu.memory_space<vmem_shared>>) offsets(%dma_start3A_176 : memref<128xi32, #tpu.memory_space<vmem>>) semaphore(%run_scoped3A_173 : memref<!tpu.dma_semaphore, #tpu.memory_space<semaphore_mem>>) {add = true}
          %dma_wait3A_179 = arith.constant 0 : i32
          %dma_wait3A_180 = tpu.memref_slice %arg9[%add3A_149, %dma_wait3A_179] : memref<160x128xi32, #tpu.memory_space<vmem>> -> memref<1x128xi32, #tpu.memory_space<vmem>>
          %dma_wait3A_181 = tpu.memref_squeeze %dma_wait3A_180 : memref<1x128xi32, #tpu.memory_space<vmem>> -> memref<128xi32, #tpu.memory_space<vmem>>
          %dma_wait3A_182 = arith.constant 0 : i32
          %dma_wait3A_183 = tpu.memref_slice %arg14[%dma_wait3A_182] : memref<10112xf32, #tpu.memory_space<vmem_shared>> -> memref<10112xf32, #tpu.memory_space<vmem_shared>>
          tpu.wait_indirect_dma semaphore(%run_scoped3A_173 : memref<!tpu.dma_semaphore, #tpu.memory_space<semaphore_mem>>) src(%arg11 : memref<128xf32, #tpu.memory_space<vmem>>) dst(%dma_wait3A_183 : memref<10112xf32, #tpu.memory_space<vmem_shared>>)
          tpu.yield
        }) : () -> ()
        %add3A_166 = arith.constant 4 : i32
        %add3A_167 = arith.addi %add3A_149, %add3A_166 : i32
        %lt3A_168 = arith.constant 160 : i32
        %lt3A_169 = arith.cmpi slt, %add3A_167, %lt3A_168 : i32
        %convert_element_type3A_170 = arith.extui %lt3A_169 : i1 to i32
        %cond3A_171 = arith.constant 0 : i32
        %cond3A_172 = arith.cmpi ne, %convert_element_type3A_170, %cond3A_171 : i32
        scf.if %cond3A_172 {
          %add3A_173 = arith.constant 4 : i32
          %add3A_174 = arith.addi %add3A_149, %add3A_173 : i32
          %dma_start3A_175 = arith.constant 3 : i32
          %dma_start3A_176 = arith.constant 0 : i32
          %dma_start3A_177 = arith.constant 0 : i32
          %dma_start3A_178 = tpu.memref_slice %arg10[%dma_start3A_175, %dma_start3A_176, %dma_start3A_177] : memref<4x128x64xf32, #tpu.memory_space<vmem>> -> memref<1x128x64xf32, #tpu.memory_space<vmem>>
          %dma_start3A_179 = tpu.memref_squeeze %dma_start3A_178 : memref<1x128x64xf32, #tpu.memory_space<vmem>> -> memref<128x64xf32, #tpu.memory_space<vmem>>
          %dma_start3A_180 = arith.constant 0 : i32
          %dma_start3A_181 = tpu.memref_slice %arg8[%add3A_174, %dma_start3A_180] : memref<160x128xi32, #tpu.memory_space<vmem>> -> memref<1x128xi32, #tpu.memory_space<vmem>>
          %dma_start3A_182 = tpu.memref_squeeze %dma_start3A_181 : memref<1x128xi32, #tpu.memory_space<vmem>> -> memref<128xi32, #tpu.memory_space<vmem>>
          %dma_start3A_183 = arith.constant 0 : i32
          %dma_start3A_184 = arith.constant 0 : i32
          %dma_start3A_185 = tpu.memref_slice %arg4[%dma_start3A_183, %dma_start3A_184] : memref<10000x64xf32, #tpu.memory_space<hbm>> -> memref<10000x64xf32, #tpu.memory_space<hbm>>
          tpu.enqueue_indirect_dma source(%dma_start3A_185 : memref<10000x64xf32, #tpu.memory_space<hbm>>) target(%dma_start3A_179 : memref<128x64xf32, #tpu.memory_space<vmem>>) offsets(%dma_start3A_182 : memref<128xi32, #tpu.memory_space<vmem>>) semaphore(%arg18 : memref<!tpu.dma_semaphore, #tpu.memory_space<semaphore_mem>>)
        } else {
        }
      }
      %scan3A_67 = arith.constant 40 : i32
    } else {
    }
    %barrier3A_10 = arith.constant 0 : index
    tpu.barrier barrier_id(%barrier3A_10)
    %eq3A_11 = arith.constant 0 : i32
    %eq3A_12 = arith.cmpi eq, %arg0, %eq3A_11 : i32
    %convert_element_type3A_13 = arith.extui %eq3A_12 : i1 to i32
    %cond3A_14 = arith.constant 0 : i32
    %cond3A_15 = arith.cmpi ne, %convert_element_type3A_13, %cond3A_14 : i32
    scf.if %cond3A_15 {
      "tpu.region"() ({
        %run_scoped3A = tpu.sem_alloc : memref<!tpu.dma_semaphore, #tpu.memory_space<semaphore_mem>>
        %dma_start3A = arith.constant 0 : i32
        %dma_start3A_16 = tpu.memref_slice %arg6[%mul3A_0, %dma_start3A] : memref<10112x64xf32, #tpu.memory_space<hbm>> -> memref<632x64xf32, #tpu.memory_space<hbm>>
        %dma_start3A_17 = arith.constant 0 : i32
        %dma_start3A_18 = tpu.memref_slice %arg13[%mul3A_0, %dma_start3A_17] : memref<10112x64xf32, #tpu.memory_space<vmem_shared>> -> memref<632x64xf32, #tpu.memory_space<vmem_shared>>
        tpu.enqueue_dma source(%dma_start3A_18 : memref<632x64xf32, #tpu.memory_space<vmem_shared>>) target(%dma_start3A_16 : memref<632x64xf32, #tpu.memory_space<hbm>>) target_semaphore(%run_scoped3A : memref<!tpu.dma_semaphore, #tpu.memory_space<semaphore_mem>>)
        %dma_wait3A = arith.constant 0 : i32
        %dma_wait3A_19 = tpu.memref_slice %arg6[%mul3A_0, %dma_wait3A] : memref<10112x64xf32, #tpu.memory_space<hbm>> -> memref<632x64xf32, #tpu.memory_space<hbm>>
        %dma_wait3A_20 = arith.constant 0 : i32
        %dma_wait3A_21 = tpu.memref_slice %arg13[%mul3A_0, %dma_wait3A_20] : memref<10112x64xf32, #tpu.memory_space<vmem_shared>> -> memref<632x64xf32, #tpu.memory_space<vmem_shared>>
        tpu.wait_dma2 semaphore(%run_scoped3A : memref<!tpu.dma_semaphore, #tpu.memory_space<semaphore_mem>>) src(%dma_wait3A_21 : memref<632x64xf32, #tpu.memory_space<vmem_shared>>) dst(%dma_wait3A_19 : memref<632x64xf32, #tpu.memory_space<hbm>>)
        tpu.yield
      }) : () -> ()
      "tpu.region"() ({
        %run_scoped3A = tpu.sem_alloc : memref<!tpu.dma_semaphore, #tpu.memory_space<semaphore_mem>>
        %dma_start3A = tpu.memref_slice %arg14[%mul3A_0] : memref<10112xf32, #tpu.memory_space<vmem_shared>> -> memref<632xf32, #tpu.memory_space<vmem_shared>>
        %dma_start3A_16 = tpu.memref_slice %arg14[%mul3A_0] : memref<10112xf32, #tpu.memory_space<vmem_shared>> -> memref<632xf32, #tpu.memory_space<vmem_shared>>
        tpu.enqueue_dma source(%dma_start3A_16 : memref<632xf32, #tpu.memory_space<vmem_shared>>) target(%arg12 : memref<632xf32, #tpu.memory_space<vmem>>) target_semaphore(%run_scoped3A : memref<!tpu.dma_semaphore, #tpu.memory_space<semaphore_mem>>)
        %dma_wait3A = tpu.memref_slice %arg14[%mul3A_0] : memref<10112xf32, #tpu.memory_space<vmem_shared>> -> memref<632xf32, #tpu.memory_space<vmem_shared>>
        %dma_wait3A_17 = tpu.memref_slice %arg14[%mul3A_0] : memref<10112xf32, #tpu.memory_space<vmem_shared>> -> memref<632xf32, #tpu.memory_space<vmem_shared>>
        tpu.wait_dma2 semaphore(%run_scoped3A : memref<!tpu.dma_semaphore, #tpu.memory_space<semaphore_mem>>) src(%dma_wait3A_17 : memref<632xf32, #tpu.memory_space<vmem_shared>>) dst(%arg12 : memref<632xf32, #tpu.memory_space<vmem>>)
        tpu.yield
      }) : () -> ()
      "tpu.region"() ({
        %run_scoped3A = tpu.sem_alloc : memref<!tpu.dma_semaphore, #tpu.memory_space<semaphore_mem>>
        %dma_start3A = arith.constant 0 : i32
        %dma_start3A_16 = tpu.memref_slice %arg7[%arg1, %dma_start3A] : memref<16x632xf32, #tpu.memory_space<hbm>> -> memref<1x632xf32, #tpu.memory_space<hbm>>
        %dma_start3A_17 = tpu.memref_squeeze %dma_start3A_16 : memref<1x632xf32, #tpu.memory_space<hbm>> -> memref<632xf32, #tpu.memory_space<hbm>>
        %dma_start3A_18 = arith.constant 0 : i32
        %dma_start3A_19 = tpu.memref_slice %arg7[%arg1, %dma_start3A_18] : memref<16x632xf32, #tpu.memory_space<hbm>> -> memref<1x632xf32, #tpu.memory_space<hbm>>
        %dma_start3A_20 = tpu.memref_squeeze %dma_start3A_19 : memref<1x632xf32, #tpu.memory_space<hbm>> -> memref<632xf32, #tpu.memory_space<hbm>>
        tpu.enqueue_dma source(%arg12 : memref<632xf32, #tpu.memory_space<vmem>>) target(%dma_start3A_20 : memref<632xf32, #tpu.memory_space<hbm>>) target_semaphore(%run_scoped3A : memref<!tpu.dma_semaphore, #tpu.memory_space<semaphore_mem>>)
        %dma_wait3A = arith.constant 0 : i32
        %dma_wait3A_21 = tpu.memref_slice %arg7[%arg1, %dma_wait3A] : memref<16x632xf32, #tpu.memory_space<hbm>> -> memref<1x632xf32, #tpu.memory_space<hbm>>
        %dma_wait3A_22 = tpu.memref_squeeze %dma_wait3A_21 : memref<1x632xf32, #tpu.memory_space<hbm>> -> memref<632xf32, #tpu.memory_space<hbm>>
        %dma_wait3A_23 = arith.constant 0 : i32
        %dma_wait3A_24 = tpu.memref_slice %arg7[%arg1, %dma_wait3A_23] : memref<16x632xf32, #tpu.memory_space<hbm>> -> memref<1x632xf32, #tpu.memory_space<hbm>>
        %dma_wait3A_25 = tpu.memref_squeeze %dma_wait3A_24 : memref<1x632xf32, #tpu.memory_space<hbm>> -> memref<632xf32, #tpu.memory_space<hbm>>
        tpu.wait_dma2 semaphore(%run_scoped3A : memref<!tpu.dma_semaphore, #tpu.memory_space<semaphore_mem>>) src(%arg12 : memref<632xf32, #tpu.memory_space<vmem>>) dst(%dma_wait3A_25 : memref<632xf32, #tpu.memory_space<hbm>>)
        tpu.yield
      }) : () -> ()
    } else {
    }
    return
  }
}

#map = affine_map<(d0, d1) -> (0, 0)>
#map1 = affine_map<(d0, d1) -> (0, 0, 0)>
module attributes {stable_mosaic.version = 14 : i64} {
  func.func @k(%arg0: i32, %arg1: i32, %arg2: memref<2560x128xi32, #tpu.memory_space<hbm>>, %arg3: memref<2560x128xi32, #tpu.memory_space<hbm>>, %arg4: memref<10000x32xf32, #tpu.memory_space<hbm>>, %arg5: memref<10112x32xf32, #tpu.memory_space<hbm>>, %arg6: memref<2x10112x32xf32, #tpu.memory_space<hbm>>, %arg7: memref<80x128xi32, #tpu.memory_space<vmem>>, %arg8: memref<80x128xi32, #tpu.memory_space<vmem>>, %arg9: memref<4x128x32xf32, #tpu.memory_space<vmem>>, %arg10: memref<10112x32xf32, #tpu.memory_space<vmem_shared>>, %arg11: memref<10000x32xf32, #tpu.memory_space<vmem_shared>>, %arg12: memref<!tpu.dma_semaphore, #tpu.memory_space<semaphore_mem>>, %arg13: memref<!tpu.dma_semaphore, #tpu.memory_space<semaphore_mem>>, %arg14: memref<!tpu.dma_semaphore, #tpu.memory_space<semaphore_mem>>, %arg15: memref<!tpu.dma_semaphore, #tpu.memory_space<semaphore_mem>>) attributes {dimension_semantics = [#tpu.dimension_semantics<core_parallel>, #tpu.dimension_semantics<subcore_parallel>], iteration_bounds = array<i64: 2, 16>, scalar_prefetch = 0 : i64, scratch_operands = 9 : i64, tpu.core_type = #tpu.core_type<sc_vector_subcore>, window_params = [{transform_indices = #map}, {transform_indices = #map}, {transform_indices = #map}, {transform_indices = #map}, {transform_indices = #map1}]} {
    %mul3A = arith.constant 16 : i32
    %mul3A_0 = arith.muli %arg0, %mul3A : i32
    %add3A = arith.addi %mul3A_0, %arg1 : i32
    %mul3A_1 = arith.constant 632 : i32
    %mul3A_2 = arith.muli %arg1, %mul3A_1 : i32
    %mul3A_3 = arith.constant 625 : i32
    %mul3A_4 = arith.muli %arg1, %mul3A_3 : i32
    "tpu.region"() ({
      %run_scoped3A = tpu.sem_alloc : memref<!tpu.dma_semaphore, #tpu.memory_space<semaphore_mem>>
      %dma_start3A_62 = arith.constant 0 : i32
      %dma_start3A_63 = tpu.memref_slice %arg10[%mul3A_2, %dma_start3A_62] : memref<10112x32xf32, #tpu.memory_space<vmem_shared>> -> memref<632x32xf32, #tpu.memory_space<vmem_shared>>
      %dma_start3A_64 = arith.constant 0 : i32
      %dma_start3A_65 = tpu.memref_slice %arg5[%mul3A_2, %dma_start3A_64] : memref<10112x32xf32, #tpu.memory_space<hbm>> -> memref<632x32xf32, #tpu.memory_space<hbm>>
      tpu.enqueue_dma source(%dma_start3A_65 : memref<632x32xf32, #tpu.memory_space<hbm>>) target(%dma_start3A_63 : memref<632x32xf32, #tpu.memory_space<vmem_shared>>) target_semaphore(%run_scoped3A : memref<!tpu.dma_semaphore, #tpu.memory_space<semaphore_mem>>)
      %dma_wait3A = arith.constant 0 : i32
      %dma_wait3A_66 = tpu.memref_slice %arg10[%mul3A_2, %dma_wait3A] : memref<10112x32xf32, #tpu.memory_space<vmem_shared>> -> memref<632x32xf32, #tpu.memory_space<vmem_shared>>
      %dma_wait3A_67 = arith.constant 0 : i32
      %dma_wait3A_68 = tpu.memref_slice %arg5[%mul3A_2, %dma_wait3A_67] : memref<10112x32xf32, #tpu.memory_space<hbm>> -> memref<632x32xf32, #tpu.memory_space<hbm>>
      tpu.wait_dma2 semaphore(%run_scoped3A : memref<!tpu.dma_semaphore, #tpu.memory_space<semaphore_mem>>) src(%dma_wait3A_68 : memref<632x32xf32, #tpu.memory_space<hbm>>) dst(%dma_wait3A_66 : memref<632x32xf32, #tpu.memory_space<vmem_shared>>)
      tpu.yield
    }) : () -> ()
    "tpu.region"() ({
      %run_scoped3A = tpu.sem_alloc : memref<!tpu.dma_semaphore, #tpu.memory_space<semaphore_mem>>
      %dma_start3A_62 = arith.constant 0 : i32
      %dma_start3A_63 = tpu.memref_slice %arg11[%mul3A_4, %dma_start3A_62] : memref<10000x32xf32, #tpu.memory_space<vmem_shared>> -> memref<625x32xf32, #tpu.memory_space<vmem_shared>>
      %dma_start3A_64 = arith.constant 0 : i32
      %dma_start3A_65 = tpu.memref_slice %arg4[%mul3A_4, %dma_start3A_64] : memref<10000x32xf32, #tpu.memory_space<hbm>> -> memref<625x32xf32, #tpu.memory_space<hbm>>
      tpu.enqueue_dma source(%dma_start3A_65 : memref<625x32xf32, #tpu.memory_space<hbm>>) target(%dma_start3A_63 : memref<625x32xf32, #tpu.memory_space<vmem_shared>>) target_semaphore(%run_scoped3A : memref<!tpu.dma_semaphore, #tpu.memory_space<semaphore_mem>>)
      %dma_wait3A = arith.constant 0 : i32
      %dma_wait3A_66 = tpu.memref_slice %arg11[%mul3A_4, %dma_wait3A] : memref<10000x32xf32, #tpu.memory_space<vmem_shared>> -> memref<625x32xf32, #tpu.memory_space<vmem_shared>>
      %dma_wait3A_67 = arith.constant 0 : i32
      %dma_wait3A_68 = tpu.memref_slice %arg4[%mul3A_4, %dma_wait3A_67] : memref<10000x32xf32, #tpu.memory_space<hbm>> -> memref<625x32xf32, #tpu.memory_space<hbm>>
      tpu.wait_dma2 semaphore(%run_scoped3A : memref<!tpu.dma_semaphore, #tpu.memory_space<semaphore_mem>>) src(%dma_wait3A_68 : memref<625x32xf32, #tpu.memory_space<hbm>>) dst(%dma_wait3A_66 : memref<625x32xf32, #tpu.memory_space<vmem_shared>>)
      tpu.yield
    }) : () -> ()
    %mul3A_5 = arith.constant 80 : i32
    %mul3A_6 = arith.muli %add3A, %mul3A_5 : i32
    "tpu.region"() ({
      %run_scoped3A = tpu.sem_alloc : memref<!tpu.dma_semaphore, #tpu.memory_space<semaphore_mem>>
      %dma_start3A_62 = arith.constant 0 : i32
      %dma_start3A_63 = tpu.memref_slice %arg2[%mul3A_6, %dma_start3A_62] : memref<2560x128xi32, #tpu.memory_space<hbm>> -> memref<80x128xi32, #tpu.memory_space<hbm>>
      %dma_start3A_64 = arith.constant 0 : i32
      %dma_start3A_65 = tpu.memref_slice %arg2[%mul3A_6, %dma_start3A_64] : memref<2560x128xi32, #tpu.memory_space<hbm>> -> memref<80x128xi32, #tpu.memory_space<hbm>>
      tpu.enqueue_dma source(%dma_start3A_65 : memref<80x128xi32, #tpu.memory_space<hbm>>) target(%arg7 : memref<80x128xi32, #tpu.memory_space<vmem>>) target_semaphore(%run_scoped3A : memref<!tpu.dma_semaphore, #tpu.memory_space<semaphore_mem>>)
      %dma_wait3A = arith.constant 0 : i32
      %dma_wait3A_66 = tpu.memref_slice %arg2[%mul3A_6, %dma_wait3A] : memref<2560x128xi32, #tpu.memory_space<hbm>> -> memref<80x128xi32, #tpu.memory_space<hbm>>
      %dma_wait3A_67 = arith.constant 0 : i32
      %dma_wait3A_68 = tpu.memref_slice %arg2[%mul3A_6, %dma_wait3A_67] : memref<2560x128xi32, #tpu.memory_space<hbm>> -> memref<80x128xi32, #tpu.memory_space<hbm>>
      tpu.wait_dma2 semaphore(%run_scoped3A : memref<!tpu.dma_semaphore, #tpu.memory_space<semaphore_mem>>) src(%dma_wait3A_68 : memref<80x128xi32, #tpu.memory_space<hbm>>) dst(%arg7 : memref<80x128xi32, #tpu.memory_space<vmem>>)
      tpu.yield
    }) : () -> ()
    %mul3A_7 = arith.constant 80 : i32
    %mul3A_8 = arith.muli %add3A, %mul3A_7 : i32
    "tpu.region"() ({
      %run_scoped3A = tpu.sem_alloc : memref<!tpu.dma_semaphore, #tpu.memory_space<semaphore_mem>>
      %dma_start3A_62 = arith.constant 0 : i32
      %dma_start3A_63 = tpu.memref_slice %arg3[%mul3A_8, %dma_start3A_62] : memref<2560x128xi32, #tpu.memory_space<hbm>> -> memref<80x128xi32, #tpu.memory_space<hbm>>
      %dma_start3A_64 = arith.constant 0 : i32
      %dma_start3A_65 = tpu.memref_slice %arg3[%mul3A_8, %dma_start3A_64] : memref<2560x128xi32, #tpu.memory_space<hbm>> -> memref<80x128xi32, #tpu.memory_space<hbm>>
      tpu.enqueue_dma source(%dma_start3A_65 : memref<80x128xi32, #tpu.memory_space<hbm>>) target(%arg8 : memref<80x128xi32, #tpu.memory_space<vmem>>) target_semaphore(%run_scoped3A : memref<!tpu.dma_semaphore, #tpu.memory_space<semaphore_mem>>)
      %dma_wait3A = arith.constant 0 : i32
      %dma_wait3A_66 = tpu.memref_slice %arg3[%mul3A_8, %dma_wait3A] : memref<2560x128xi32, #tpu.memory_space<hbm>> -> memref<80x128xi32, #tpu.memory_space<hbm>>
      %dma_wait3A_67 = arith.constant 0 : i32
      %dma_wait3A_68 = tpu.memref_slice %arg3[%mul3A_8, %dma_wait3A_67] : memref<2560x128xi32, #tpu.memory_space<hbm>> -> memref<80x128xi32, #tpu.memory_space<hbm>>
      tpu.wait_dma2 semaphore(%run_scoped3A : memref<!tpu.dma_semaphore, #tpu.memory_space<semaphore_mem>>) src(%dma_wait3A_68 : memref<80x128xi32, #tpu.memory_space<hbm>>) dst(%arg8 : memref<80x128xi32, #tpu.memory_space<vmem>>)
      tpu.yield
    }) : () -> ()
    %barrier3A = arith.constant 0 : index
    tpu.barrier barrier_id(%barrier3A)
    %dma_start3A = arith.constant 0 : i32
    %dma_start3A_9 = arith.constant 0 : i32
    %dma_start3A_10 = arith.constant 0 : i32
    %dma_start3A_11 = arith.constant 0 : i32
    %dma_start3A_12 = tpu.memref_slice %arg9[%dma_start3A_9, %dma_start3A_10, %dma_start3A_11] : memref<4x128x32xf32, #tpu.memory_space<vmem>> -> memref<1x128x32xf32, #tpu.memory_space<vmem>>
    %dma_start3A_13 = tpu.memref_squeeze %dma_start3A_12 : memref<1x128x32xf32, #tpu.memory_space<vmem>> -> memref<128x32xf32, #tpu.memory_space<vmem>>
    %dma_start3A_14 = arith.constant 0 : i32
    %dma_start3A_15 = tpu.memref_slice %arg7[%dma_start3A, %dma_start3A_14] : memref<80x128xi32, #tpu.memory_space<vmem>> -> memref<1x128xi32, #tpu.memory_space<vmem>>
    %dma_start3A_16 = tpu.memref_squeeze %dma_start3A_15 : memref<1x128xi32, #tpu.memory_space<vmem>> -> memref<128xi32, #tpu.memory_space<vmem>>
    %dma_start3A_17 = arith.constant 0 : i32
    %dma_start3A_18 = arith.constant 0 : i32
    %dma_start3A_19 = tpu.memref_slice %arg11[%dma_start3A_17, %dma_start3A_18] : memref<10000x32xf32, #tpu.memory_space<vmem_shared>> -> memref<10000x32xf32, #tpu.memory_space<vmem_shared>>
    tpu.enqueue_indirect_dma source(%dma_start3A_19 : memref<10000x32xf32, #tpu.memory_space<vmem_shared>>) target(%dma_start3A_13 : memref<128x32xf32, #tpu.memory_space<vmem>>) offsets(%dma_start3A_16 : memref<128xi32, #tpu.memory_space<vmem>>) semaphore(%arg12 : memref<!tpu.dma_semaphore, #tpu.memory_space<semaphore_mem>>)
    %dma_start3A_20 = arith.constant 1 : i32
    %dma_start3A_21 = arith.constant 1 : i32
    %dma_start3A_22 = arith.constant 0 : i32
    %dma_start3A_23 = arith.constant 0 : i32
    %dma_start3A_24 = tpu.memref_slice %arg9[%dma_start3A_21, %dma_start3A_22, %dma_start3A_23] : memref<4x128x32xf32, #tpu.memory_space<vmem>> -> memref<1x128x32xf32, #tpu.memory_space<vmem>>
    %dma_start3A_25 = tpu.memref_squeeze %dma_start3A_24 : memref<1x128x32xf32, #tpu.memory_space<vmem>> -> memref<128x32xf32, #tpu.memory_space<vmem>>
    %dma_start3A_26 = arith.constant 0 : i32
    %dma_start3A_27 = tpu.memref_slice %arg7[%dma_start3A_20, %dma_start3A_26] : memref<80x128xi32, #tpu.memory_space<vmem>> -> memref<1x128xi32, #tpu.memory_space<vmem>>
    %dma_start3A_28 = tpu.memref_squeeze %dma_start3A_27 : memref<1x128xi32, #tpu.memory_space<vmem>> -> memref<128xi32, #tpu.memory_space<vmem>>
    %dma_start3A_29 = arith.constant 0 : i32
    %dma_start3A_30 = arith.constant 0 : i32
    %dma_start3A_31 = tpu.memref_slice %arg11[%dma_start3A_29, %dma_start3A_30] : memref<10000x32xf32, #tpu.memory_space<vmem_shared>> -> memref<10000x32xf32, #tpu.memory_space<vmem_shared>>
    tpu.enqueue_indirect_dma source(%dma_start3A_31 : memref<10000x32xf32, #tpu.memory_space<vmem_shared>>) target(%dma_start3A_25 : memref<128x32xf32, #tpu.memory_space<vmem>>) offsets(%dma_start3A_28 : memref<128xi32, #tpu.memory_space<vmem>>) semaphore(%arg13 : memref<!tpu.dma_semaphore, #tpu.memory_space<semaphore_mem>>)
    %dma_start3A_32 = arith.constant 2 : i32
    %dma_start3A_33 = arith.constant 2 : i32
    %dma_start3A_34 = arith.constant 0 : i32
    %dma_start3A_35 = arith.constant 0 : i32
    %dma_start3A_36 = tpu.memref_slice %arg9[%dma_start3A_33, %dma_start3A_34, %dma_start3A_35] : memref<4x128x32xf32, #tpu.memory_space<vmem>> -> memref<1x128x32xf32, #tpu.memory_space<vmem>>
    %dma_start3A_37 = tpu.memref_squeeze %dma_start3A_36 : memref<1x128x32xf32, #tpu.memory_space<vmem>> -> memref<128x32xf32, #tpu.memory_space<vmem>>
    %dma_start3A_38 = arith.constant 0 : i32
    %dma_start3A_39 = tpu.memref_slice %arg7[%dma_start3A_32, %dma_start3A_38] : memref<80x128xi32, #tpu.memory_space<vmem>> -> memref<1x128xi32, #tpu.memory_space<vmem>>
    %dma_start3A_40 = tpu.memref_squeeze %dma_start3A_39 : memref<1x128xi32, #tpu.memory_space<vmem>> -> memref<128xi32, #tpu.memory_space<vmem>>
    %dma_start3A_41 = arith.constant 0 : i32
    %dma_start3A_42 = arith.constant 0 : i32
    %dma_start3A_43 = tpu.memref_slice %arg11[%dma_start3A_41, %dma_start3A_42] : memref<10000x32xf32, #tpu.memory_space<vmem_shared>> -> memref<10000x32xf32, #tpu.memory_space<vmem_shared>>
    tpu.enqueue_indirect_dma source(%dma_start3A_43 : memref<10000x32xf32, #tpu.memory_space<vmem_shared>>) target(%dma_start3A_37 : memref<128x32xf32, #tpu.memory_space<vmem>>) offsets(%dma_start3A_40 : memref<128xi32, #tpu.memory_space<vmem>>) semaphore(%arg14 : memref<!tpu.dma_semaphore, #tpu.memory_space<semaphore_mem>>)
    %dma_start3A_44 = arith.constant 3 : i32
    %dma_start3A_45 = arith.constant 3 : i32
    %dma_start3A_46 = arith.constant 0 : i32
    %dma_start3A_47 = arith.constant 0 : i32
    %dma_start3A_48 = tpu.memref_slice %arg9[%dma_start3A_45, %dma_start3A_46, %dma_start3A_47] : memref<4x128x32xf32, #tpu.memory_space<vmem>> -> memref<1x128x32xf32, #tpu.memory_space<vmem>>
    %dma_start3A_49 = tpu.memref_squeeze %dma_start3A_48 : memref<1x128x32xf32, #tpu.memory_space<vmem>> -> memref<128x32xf32, #tpu.memory_space<vmem>>
    %dma_start3A_50 = arith.constant 0 : i32
    %dma_start3A_51 = tpu.memref_slice %arg7[%dma_start3A_44, %dma_start3A_50] : memref<80x128xi32, #tpu.memory_space<vmem>> -> memref<1x128xi32, #tpu.memory_space<vmem>>
    %dma_start3A_52 = tpu.memref_squeeze %dma_start3A_51 : memref<1x128xi32, #tpu.memory_space<vmem>> -> memref<128xi32, #tpu.memory_space<vmem>>
    %dma_start3A_53 = arith.constant 0 : i32
    %dma_start3A_54 = arith.constant 0 : i32
    %dma_start3A_55 = tpu.memref_slice %arg11[%dma_start3A_53, %dma_start3A_54] : memref<10000x32xf32, #tpu.memory_space<vmem_shared>> -> memref<10000x32xf32, #tpu.memory_space<vmem_shared>>
    tpu.enqueue_indirect_dma source(%dma_start3A_55 : memref<10000x32xf32, #tpu.memory_space<vmem_shared>>) target(%dma_start3A_49 : memref<128x32xf32, #tpu.memory_space<vmem>>) offsets(%dma_start3A_52 : memref<128xi32, #tpu.memory_space<vmem>>) semaphore(%arg15 : memref<!tpu.dma_semaphore, #tpu.memory_space<semaphore_mem>>)
    %scan3A = arith.constant 0 : i32
    %scan3A_56 = arith.constant 0 : i32
    %scan3A_57 = arith.constant 20 : i32
    %scan3A_58 = arith.addi %scan3A_56, %scan3A_57 : i32
    %scan3A_59 = arith.constant 1 : i32
    scf.for %scan3A_62 = %scan3A_56 to %scan3A_58 step %scan3A_59  : i32 {
      %mul3A_63 = arith.constant 4 : i32
      %mul3A_64 = arith.muli %scan3A_62, %mul3A_63 : i32
      %add3A_65 = arith.constant 0 : i32
      %add3A_66 = arith.addi %mul3A_64, %add3A_65 : i32
      %dma_wait3A = arith.constant 0 : i32
      %dma_wait3A_67 = arith.constant 0 : i32
      %dma_wait3A_68 = arith.constant 0 : i32
      %dma_wait3A_69 = tpu.memref_slice %arg9[%dma_wait3A, %dma_wait3A_67, %dma_wait3A_68] : memref<4x128x32xf32, #tpu.memory_space<vmem>> -> memref<1x128x32xf32, #tpu.memory_space<vmem>>
      %dma_wait3A_70 = tpu.memref_squeeze %dma_wait3A_69 : memref<1x128x32xf32, #tpu.memory_space<vmem>> -> memref<128x32xf32, #tpu.memory_space<vmem>>
      %dma_wait3A_71 = arith.constant 0 : i32
      %dma_wait3A_72 = arith.constant 0 : i32
      %dma_wait3A_73 = tpu.memref_slice %arg11[%dma_wait3A_71, %dma_wait3A_72] : memref<10000x32xf32, #tpu.memory_space<vmem_shared>> -> memref<128x32xf32, #tpu.memory_space<vmem_shared>>
      %dma_wait3A_74 = arith.constant 0 : i32
      %dma_wait3A_75 = arith.constant 0 : i32
      %dma_wait3A_76 = tpu.memref_slice %arg9[%dma_wait3A, %dma_wait3A_74, %dma_wait3A_75] : memref<4x128x32xf32, #tpu.memory_space<vmem>> -> memref<1x128x32xf32, #tpu.memory_space<vmem>>
      %dma_wait3A_77 = tpu.memref_squeeze %dma_wait3A_76 : memref<1x128x32xf32, #tpu.memory_space<vmem>> -> memref<128x32xf32, #tpu.memory_space<vmem>>
      %dma_wait3A_78 = arith.constant 0 : i32
      %dma_wait3A_79 = arith.constant 0 : i32
      %dma_wait3A_80 = tpu.memref_slice %arg11[%dma_wait3A_78, %dma_wait3A_79] : memref<10000x32xf32, #tpu.memory_space<vmem_shared>> -> memref<128x32xf32, #tpu.memory_space<vmem_shared>>
      tpu.wait_dma2 semaphore(%arg12 : memref<!tpu.dma_semaphore, #tpu.memory_space<semaphore_mem>>) src(%dma_wait3A_80 : memref<128x32xf32, #tpu.memory_space<vmem_shared>>) dst(%dma_wait3A_77 : memref<128x32xf32, #tpu.memory_space<vmem>>)
      %run_scoped3A = arith.constant 0 : i32
      "tpu.region"() ({
        %run_scoped3A_166 = tpu.sem_alloc : memref<!tpu.dma_semaphore, #tpu.memory_space<semaphore_mem>>
        %dma_start3A_167 = arith.constant 0 : i32
        %dma_start3A_168 = arith.constant 0 : i32
        %dma_start3A_169 = tpu.memref_slice %arg9[%run_scoped3A, %dma_start3A_167, %dma_start3A_168] : memref<4x128x32xf32, #tpu.memory_space<vmem>> -> memref<1x128x32xf32, #tpu.memory_space<vmem>>
        %dma_start3A_170 = tpu.memref_squeeze %dma_start3A_169 : memref<1x128x32xf32, #tpu.memory_space<vmem>> -> memref<128x32xf32, #tpu.memory_space<vmem>>
        %dma_start3A_171 = arith.constant 0 : i32
        %dma_start3A_172 = tpu.memref_slice %arg8[%add3A_66, %dma_start3A_171] : memref<80x128xi32, #tpu.memory_space<vmem>> -> memref<1x128xi32, #tpu.memory_space<vmem>>
        %dma_start3A_173 = tpu.memref_squeeze %dma_start3A_172 : memref<1x128xi32, #tpu.memory_space<vmem>> -> memref<128xi32, #tpu.memory_space<vmem>>
        %dma_start3A_174 = arith.constant 0 : i32
        %dma_start3A_175 = arith.constant 0 : i32
        %dma_start3A_176 = tpu.memref_slice %arg10[%dma_start3A_174, %dma_start3A_175] : memref<10112x32xf32, #tpu.memory_space<vmem_shared>> -> memref<10112x32xf32, #tpu.memory_space<vmem_shared>>
        tpu.enqueue_indirect_dma source(%dma_start3A_170 : memref<128x32xf32, #tpu.memory_space<vmem>>) target(%dma_start3A_176 : memref<10112x32xf32, #tpu.memory_space<vmem_shared>>) offsets(%dma_start3A_173 : memref<128xi32, #tpu.memory_space<vmem>>) semaphore(%run_scoped3A_166 : memref<!tpu.dma_semaphore, #tpu.memory_space<semaphore_mem>>) {add = true}
        %dma_wait3A_177 = arith.constant 0 : i32
        %dma_wait3A_178 = arith.constant 0 : i32
        %dma_wait3A_179 = tpu.memref_slice %arg9[%run_scoped3A, %dma_wait3A_177, %dma_wait3A_178] : memref<4x128x32xf32, #tpu.memory_space<vmem>> -> memref<1x128x32xf32, #tpu.memory_space<vmem>>
        %dma_wait3A_180 = tpu.memref_squeeze %dma_wait3A_179 : memref<1x128x32xf32, #tpu.memory_space<vmem>> -> memref<128x32xf32, #tpu.memory_space<vmem>>
        %dma_wait3A_181 = arith.constant 0 : i32
        %dma_wait3A_182 = tpu.memref_slice %arg8[%add3A_66, %dma_wait3A_181] : memref<80x128xi32, #tpu.memory_space<vmem>> -> memref<1x128xi32, #tpu.memory_space<vmem>>
        %dma_wait3A_183 = tpu.memref_squeeze %dma_wait3A_182 : memref<1x128xi32, #tpu.memory_space<vmem>> -> memref<128xi32, #tpu.memory_space<vmem>>
        %dma_wait3A_184 = arith.constant 0 : i32
        %dma_wait3A_185 = arith.constant 0 : i32
        %dma_wait3A_186 = tpu.memref_slice %arg10[%dma_wait3A_184, %dma_wait3A_185] : memref<10112x32xf32, #tpu.memory_space<vmem_shared>> -> memref<10112x32xf32, #tpu.memory_space<vmem_shared>>
        tpu.wait_indirect_dma semaphore(%run_scoped3A_166 : memref<!tpu.dma_semaphore, #tpu.memory_space<semaphore_mem>>) src(%dma_wait3A_180 : memref<128x32xf32, #tpu.memory_space<vmem>>) dst(%dma_wait3A_186 : memref<10112x32xf32, #tpu.memory_space<vmem_shared>>)
        tpu.yield
      }) : () -> ()
      %add3A_81 = arith.constant 4 : i32
      %add3A_82 = arith.addi %add3A_66, %add3A_81 : i32
      %lt3A = arith.constant 80 : i32
      %lt3A_83 = arith.cmpi slt, %add3A_82, %lt3A : i32
      %convert_element_type3A = arith.extui %lt3A_83 : i1 to i32
      %cond3A = arith.constant 0 : i32
      %cond3A_84 = arith.cmpi ne, %convert_element_type3A, %cond3A : i32
      scf.if %cond3A_84 {
        %add3A_166 = arith.constant 4 : i32
        %add3A_167 = arith.addi %add3A_66, %add3A_166 : i32
        %dma_start3A_168 = arith.constant 0 : i32
        %dma_start3A_169 = arith.constant 0 : i32
        %dma_start3A_170 = arith.constant 0 : i32
        %dma_start3A_171 = tpu.memref_slice %arg9[%dma_start3A_168, %dma_start3A_169, %dma_start3A_170] : memref<4x128x32xf32, #tpu.memory_space<vmem>> -> memref<1x128x32xf32, #tpu.memory_space<vmem>>
        %dma_start3A_172 = tpu.memref_squeeze %dma_start3A_171 : memref<1x128x32xf32, #tpu.memory_space<vmem>> -> memref<128x32xf32, #tpu.memory_space<vmem>>
        %dma_start3A_173 = arith.constant 0 : i32
        %dma_start3A_174 = tpu.memref_slice %arg7[%add3A_167, %dma_start3A_173] : memref<80x128xi32, #tpu.memory_space<vmem>> -> memref<1x128xi32, #tpu.memory_space<vmem>>
        %dma_start3A_175 = tpu.memref_squeeze %dma_start3A_174 : memref<1x128xi32, #tpu.memory_space<vmem>> -> memref<128xi32, #tpu.memory_space<vmem>>
        %dma_start3A_176 = arith.constant 0 : i32
        %dma_start3A_177 = arith.constant 0 : i32
        %dma_start3A_178 = tpu.memref_slice %arg11[%dma_start3A_176, %dma_start3A_177] : memref<10000x32xf32, #tpu.memory_space<vmem_shared>> -> memref<10000x32xf32, #tpu.memory_space<vmem_shared>>
        tpu.enqueue_indirect_dma source(%dma_start3A_178 : memref<10000x32xf32, #tpu.memory_space<vmem_shared>>) target(%dma_start3A_172 : memref<128x32xf32, #tpu.memory_space<vmem>>) offsets(%dma_start3A_175 : memref<128xi32, #tpu.memory_space<vmem>>) semaphore(%arg12 : memref<!tpu.dma_semaphore, #tpu.memory_space<semaphore_mem>>)
      } else {
      }
      %mul3A_85 = arith.constant 4 : i32
      %mul3A_86 = arith.muli %scan3A_62, %mul3A_85 : i32
      %add3A_87 = arith.constant 1 : i32
      %add3A_88 = arith.addi %mul3A_86, %add3A_87 : i32
      %dma_wait3A_89 = arith.constant 1 : i32
      %dma_wait3A_90 = arith.constant 0 : i32
      %dma_wait3A_91 = arith.constant 0 : i32
      %dma_wait3A_92 = tpu.memref_slice %arg9[%dma_wait3A_89, %dma_wait3A_90, %dma_wait3A_91] : memref<4x128x32xf32, #tpu.memory_space<vmem>> -> memref<1x128x32xf32, #tpu.memory_space<vmem>>
      %dma_wait3A_93 = tpu.memref_squeeze %dma_wait3A_92 : memref<1x128x32xf32, #tpu.memory_space<vmem>> -> memref<128x32xf32, #tpu.memory_space<vmem>>
      %dma_wait3A_94 = arith.constant 0 : i32
      %dma_wait3A_95 = arith.constant 0 : i32
      %dma_wait3A_96 = tpu.memref_slice %arg11[%dma_wait3A_94, %dma_wait3A_95] : memref<10000x32xf32, #tpu.memory_space<vmem_shared>> -> memref<128x32xf32, #tpu.memory_space<vmem_shared>>
      %dma_wait3A_97 = arith.constant 0 : i32
      %dma_wait3A_98 = arith.constant 0 : i32
      %dma_wait3A_99 = tpu.memref_slice %arg9[%dma_wait3A_89, %dma_wait3A_97, %dma_wait3A_98] : memref<4x128x32xf32, #tpu.memory_space<vmem>> -> memref<1x128x32xf32, #tpu.memory_space<vmem>>
      %dma_wait3A_100 = tpu.memref_squeeze %dma_wait3A_99 : memref<1x128x32xf32, #tpu.memory_space<vmem>> -> memref<128x32xf32, #tpu.memory_space<vmem>>
      %dma_wait3A_101 = arith.constant 0 : i32
      %dma_wait3A_102 = arith.constant 0 : i32
      %dma_wait3A_103 = tpu.memref_slice %arg11[%dma_wait3A_101, %dma_wait3A_102] : memref<10000x32xf32, #tpu.memory_space<vmem_shared>> -> memref<128x32xf32, #tpu.memory_space<vmem_shared>>
      tpu.wait_dma2 semaphore(%arg13 : memref<!tpu.dma_semaphore, #tpu.memory_space<semaphore_mem>>) src(%dma_wait3A_103 : memref<128x32xf32, #tpu.memory_space<vmem_shared>>) dst(%dma_wait3A_100 : memref<128x32xf32, #tpu.memory_space<vmem>>)
      %run_scoped3A_104 = arith.constant 1 : i32
      "tpu.region"() ({
        %run_scoped3A_166 = tpu.sem_alloc : memref<!tpu.dma_semaphore, #tpu.memory_space<semaphore_mem>>
        %dma_start3A_167 = arith.constant 0 : i32
        %dma_start3A_168 = arith.constant 0 : i32
        %dma_start3A_169 = tpu.memref_slice %arg9[%run_scoped3A_104, %dma_start3A_167, %dma_start3A_168] : memref<4x128x32xf32, #tpu.memory_space<vmem>> -> memref<1x128x32xf32, #tpu.memory_space<vmem>>
        %dma_start3A_170 = tpu.memref_squeeze %dma_start3A_169 : memref<1x128x32xf32, #tpu.memory_space<vmem>> -> memref<128x32xf32, #tpu.memory_space<vmem>>
        %dma_start3A_171 = arith.constant 0 : i32
        %dma_start3A_172 = tpu.memref_slice %arg8[%add3A_88, %dma_start3A_171] : memref<80x128xi32, #tpu.memory_space<vmem>> -> memref<1x128xi32, #tpu.memory_space<vmem>>
        %dma_start3A_173 = tpu.memref_squeeze %dma_start3A_172 : memref<1x128xi32, #tpu.memory_space<vmem>> -> memref<128xi32, #tpu.memory_space<vmem>>
        %dma_start3A_174 = arith.constant 0 : i32
        %dma_start3A_175 = arith.constant 0 : i32
        %dma_start3A_176 = tpu.memref_slice %arg10[%dma_start3A_174, %dma_start3A_175] : memref<10112x32xf32, #tpu.memory_space<vmem_shared>> -> memref<10112x32xf32, #tpu.memory_space<vmem_shared>>
        tpu.enqueue_indirect_dma source(%dma_start3A_170 : memref<128x32xf32, #tpu.memory_space<vmem>>) target(%dma_start3A_176 : memref<10112x32xf32, #tpu.memory_space<vmem_shared>>) offsets(%dma_start3A_173 : memref<128xi32, #tpu.memory_space<vmem>>) semaphore(%run_scoped3A_166 : memref<!tpu.dma_semaphore, #tpu.memory_space<semaphore_mem>>) {add = true}
        %dma_wait3A_177 = arith.constant 0 : i32
        %dma_wait3A_178 = arith.constant 0 : i32
        %dma_wait3A_179 = tpu.memref_slice %arg9[%run_scoped3A_104, %dma_wait3A_177, %dma_wait3A_178] : memref<4x128x32xf32, #tpu.memory_space<vmem>> -> memref<1x128x32xf32, #tpu.memory_space<vmem>>
        %dma_wait3A_180 = tpu.memref_squeeze %dma_wait3A_179 : memref<1x128x32xf32, #tpu.memory_space<vmem>> -> memref<128x32xf32, #tpu.memory_space<vmem>>
        %dma_wait3A_181 = arith.constant 0 : i32
        %dma_wait3A_182 = tpu.memref_slice %arg8[%add3A_88, %dma_wait3A_181] : memref<80x128xi32, #tpu.memory_space<vmem>> -> memref<1x128xi32, #tpu.memory_space<vmem>>
        %dma_wait3A_183 = tpu.memref_squeeze %dma_wait3A_182 : memref<1x128xi32, #tpu.memory_space<vmem>> -> memref<128xi32, #tpu.memory_space<vmem>>
        %dma_wait3A_184 = arith.constant 0 : i32
        %dma_wait3A_185 = arith.constant 0 : i32
        %dma_wait3A_186 = tpu.memref_slice %arg10[%dma_wait3A_184, %dma_wait3A_185] : memref<10112x32xf32, #tpu.memory_space<vmem_shared>> -> memref<10112x32xf32, #tpu.memory_space<vmem_shared>>
        tpu.wait_indirect_dma semaphore(%run_scoped3A_166 : memref<!tpu.dma_semaphore, #tpu.memory_space<semaphore_mem>>) src(%dma_wait3A_180 : memref<128x32xf32, #tpu.memory_space<vmem>>) dst(%dma_wait3A_186 : memref<10112x32xf32, #tpu.memory_space<vmem_shared>>)
        tpu.yield
      }) : () -> ()
      %add3A_105 = arith.constant 4 : i32
      %add3A_106 = arith.addi %add3A_88, %add3A_105 : i32
      %lt3A_107 = arith.constant 80 : i32
      %lt3A_108 = arith.cmpi slt, %add3A_106, %lt3A_107 : i32
      %convert_element_type3A_109 = arith.extui %lt3A_108 : i1 to i32
      %cond3A_110 = arith.constant 0 : i32
      %cond3A_111 = arith.cmpi ne, %convert_element_type3A_109, %cond3A_110 : i32
      scf.if %cond3A_111 {
        %add3A_166 = arith.constant 4 : i32
        %add3A_167 = arith.addi %add3A_88, %add3A_166 : i32
        %dma_start3A_168 = arith.constant 1 : i32
        %dma_start3A_169 = arith.constant 0 : i32
        %dma_start3A_170 = arith.constant 0 : i32
        %dma_start3A_171 = tpu.memref_slice %arg9[%dma_start3A_168, %dma_start3A_169, %dma_start3A_170] : memref<4x128x32xf32, #tpu.memory_space<vmem>> -> memref<1x128x32xf32, #tpu.memory_space<vmem>>
        %dma_start3A_172 = tpu.memref_squeeze %dma_start3A_171 : memref<1x128x32xf32, #tpu.memory_space<vmem>> -> memref<128x32xf32, #tpu.memory_space<vmem>>
        %dma_start3A_173 = arith.constant 0 : i32
        %dma_start3A_174 = tpu.memref_slice %arg7[%add3A_167, %dma_start3A_173] : memref<80x128xi32, #tpu.memory_space<vmem>> -> memref<1x128xi32, #tpu.memory_space<vmem>>
        %dma_start3A_175 = tpu.memref_squeeze %dma_start3A_174 : memref<1x128xi32, #tpu.memory_space<vmem>> -> memref<128xi32, #tpu.memory_space<vmem>>
        %dma_start3A_176 = arith.constant 0 : i32
        %dma_start3A_177 = arith.constant 0 : i32
        %dma_start3A_178 = tpu.memref_slice %arg11[%dma_start3A_176, %dma_start3A_177] : memref<10000x32xf32, #tpu.memory_space<vmem_shared>> -> memref<10000x32xf32, #tpu.memory_space<vmem_shared>>
        tpu.enqueue_indirect_dma source(%dma_start3A_178 : memref<10000x32xf32, #tpu.memory_space<vmem_shared>>) target(%dma_start3A_172 : memref<128x32xf32, #tpu.memory_space<vmem>>) offsets(%dma_start3A_175 : memref<128xi32, #tpu.memory_space<vmem>>) semaphore(%arg13 : memref<!tpu.dma_semaphore, #tpu.memory_space<semaphore_mem>>)
      } else {
      }
      %mul3A_112 = arith.constant 4 : i32
      %mul3A_113 = arith.muli %scan3A_62, %mul3A_112 : i32
      %add3A_114 = arith.constant 2 : i32
      %add3A_115 = arith.addi %mul3A_113, %add3A_114 : i32
      %dma_wait3A_116 = arith.constant 2 : i32
      %dma_wait3A_117 = arith.constant 0 : i32
      %dma_wait3A_118 = arith.constant 0 : i32
      %dma_wait3A_119 = tpu.memref_slice %arg9[%dma_wait3A_116, %dma_wait3A_117, %dma_wait3A_118] : memref<4x128x32xf32, #tpu.memory_space<vmem>> -> memref<1x128x32xf32, #tpu.memory_space<vmem>>
      %dma_wait3A_120 = tpu.memref_squeeze %dma_wait3A_119 : memref<1x128x32xf32, #tpu.memory_space<vmem>> -> memref<128x32xf32, #tpu.memory_space<vmem>>
      %dma_wait3A_121 = arith.constant 0 : i32
      %dma_wait3A_122 = arith.constant 0 : i32
      %dma_wait3A_123 = tpu.memref_slice %arg11[%dma_wait3A_121, %dma_wait3A_122] : memref<10000x32xf32, #tpu.memory_space<vmem_shared>> -> memref<128x32xf32, #tpu.memory_space<vmem_shared>>
      %dma_wait3A_124 = arith.constant 0 : i32
      %dma_wait3A_125 = arith.constant 0 : i32
      %dma_wait3A_126 = tpu.memref_slice %arg9[%dma_wait3A_116, %dma_wait3A_124, %dma_wait3A_125] : memref<4x128x32xf32, #tpu.memory_space<vmem>> -> memref<1x128x32xf32, #tpu.memory_space<vmem>>
      %dma_wait3A_127 = tpu.memref_squeeze %dma_wait3A_126 : memref<1x128x32xf32, #tpu.memory_space<vmem>> -> memref<128x32xf32, #tpu.memory_space<vmem>>
      %dma_wait3A_128 = arith.constant 0 : i32
      %dma_wait3A_129 = arith.constant 0 : i32
      %dma_wait3A_130 = tpu.memref_slice %arg11[%dma_wait3A_128, %dma_wait3A_129] : memref<10000x32xf32, #tpu.memory_space<vmem_shared>> -> memref<128x32xf32, #tpu.memory_space<vmem_shared>>
      tpu.wait_dma2 semaphore(%arg14 : memref<!tpu.dma_semaphore, #tpu.memory_space<semaphore_mem>>) src(%dma_wait3A_130 : memref<128x32xf32, #tpu.memory_space<vmem_shared>>) dst(%dma_wait3A_127 : memref<128x32xf32, #tpu.memory_space<vmem>>)
      %run_scoped3A_131 = arith.constant 2 : i32
      "tpu.region"() ({
        %run_scoped3A_166 = tpu.sem_alloc : memref<!tpu.dma_semaphore, #tpu.memory_space<semaphore_mem>>
        %dma_start3A_167 = arith.constant 0 : i32
        %dma_start3A_168 = arith.constant 0 : i32
        %dma_start3A_169 = tpu.memref_slice %arg9[%run_scoped3A_131, %dma_start3A_167, %dma_start3A_168] : memref<4x128x32xf32, #tpu.memory_space<vmem>> -> memref<1x128x32xf32, #tpu.memory_space<vmem>>
        %dma_start3A_170 = tpu.memref_squeeze %dma_start3A_169 : memref<1x128x32xf32, #tpu.memory_space<vmem>> -> memref<128x32xf32, #tpu.memory_space<vmem>>
        %dma_start3A_171 = arith.constant 0 : i32
        %dma_start3A_172 = tpu.memref_slice %arg8[%add3A_115, %dma_start3A_171] : memref<80x128xi32, #tpu.memory_space<vmem>> -> memref<1x128xi32, #tpu.memory_space<vmem>>
        %dma_start3A_173 = tpu.memref_squeeze %dma_start3A_172 : memref<1x128xi32, #tpu.memory_space<vmem>> -> memref<128xi32, #tpu.memory_space<vmem>>
        %dma_start3A_174 = arith.constant 0 : i32
        %dma_start3A_175 = arith.constant 0 : i32
        %dma_start3A_176 = tpu.memref_slice %arg10[%dma_start3A_174, %dma_start3A_175] : memref<10112x32xf32, #tpu.memory_space<vmem_shared>> -> memref<10112x32xf32, #tpu.memory_space<vmem_shared>>
        tpu.enqueue_indirect_dma source(%dma_start3A_170 : memref<128x32xf32, #tpu.memory_space<vmem>>) target(%dma_start3A_176 : memref<10112x32xf32, #tpu.memory_space<vmem_shared>>) offsets(%dma_start3A_173 : memref<128xi32, #tpu.memory_space<vmem>>) semaphore(%run_scoped3A_166 : memref<!tpu.dma_semaphore, #tpu.memory_space<semaphore_mem>>) {add = true}
        %dma_wait3A_177 = arith.constant 0 : i32
        %dma_wait3A_178 = arith.constant 0 : i32
        %dma_wait3A_179 = tpu.memref_slice %arg9[%run_scoped3A_131, %dma_wait3A_177, %dma_wait3A_178] : memref<4x128x32xf32, #tpu.memory_space<vmem>> -> memref<1x128x32xf32, #tpu.memory_space<vmem>>
        %dma_wait3A_180 = tpu.memref_squeeze %dma_wait3A_179 : memref<1x128x32xf32, #tpu.memory_space<vmem>> -> memref<128x32xf32, #tpu.memory_space<vmem>>
        %dma_wait3A_181 = arith.constant 0 : i32
        %dma_wait3A_182 = tpu.memref_slice %arg8[%add3A_115, %dma_wait3A_181] : memref<80x128xi32, #tpu.memory_space<vmem>> -> memref<1x128xi32, #tpu.memory_space<vmem>>
        %dma_wait3A_183 = tpu.memref_squeeze %dma_wait3A_182 : memref<1x128xi32, #tpu.memory_space<vmem>> -> memref<128xi32, #tpu.memory_space<vmem>>
        %dma_wait3A_184 = arith.constant 0 : i32
        %dma_wait3A_185 = arith.constant 0 : i32
        %dma_wait3A_186 = tpu.memref_slice %arg10[%dma_wait3A_184, %dma_wait3A_185] : memref<10112x32xf32, #tpu.memory_space<vmem_shared>> -> memref<10112x32xf32, #tpu.memory_space<vmem_shared>>
        tpu.wait_indirect_dma semaphore(%run_scoped3A_166 : memref<!tpu.dma_semaphore, #tpu.memory_space<semaphore_mem>>) src(%dma_wait3A_180 : memref<128x32xf32, #tpu.memory_space<vmem>>) dst(%dma_wait3A_186 : memref<10112x32xf32, #tpu.memory_space<vmem_shared>>)
        tpu.yield
      }) : () -> ()
      %add3A_132 = arith.constant 4 : i32
      %add3A_133 = arith.addi %add3A_115, %add3A_132 : i32
      %lt3A_134 = arith.constant 80 : i32
      %lt3A_135 = arith.cmpi slt, %add3A_133, %lt3A_134 : i32
      %convert_element_type3A_136 = arith.extui %lt3A_135 : i1 to i32
      %cond3A_137 = arith.constant 0 : i32
      %cond3A_138 = arith.cmpi ne, %convert_element_type3A_136, %cond3A_137 : i32
      scf.if %cond3A_138 {
        %add3A_166 = arith.constant 4 : i32
        %add3A_167 = arith.addi %add3A_115, %add3A_166 : i32
        %dma_start3A_168 = arith.constant 2 : i32
        %dma_start3A_169 = arith.constant 0 : i32
        %dma_start3A_170 = arith.constant 0 : i32
        %dma_start3A_171 = tpu.memref_slice %arg9[%dma_start3A_168, %dma_start3A_169, %dma_start3A_170] : memref<4x128x32xf32, #tpu.memory_space<vmem>> -> memref<1x128x32xf32, #tpu.memory_space<vmem>>
        %dma_start3A_172 = tpu.memref_squeeze %dma_start3A_171 : memref<1x128x32xf32, #tpu.memory_space<vmem>> -> memref<128x32xf32, #tpu.memory_space<vmem>>
        %dma_start3A_173 = arith.constant 0 : i32
        %dma_start3A_174 = tpu.memref_slice %arg7[%add3A_167, %dma_start3A_173] : memref<80x128xi32, #tpu.memory_space<vmem>> -> memref<1x128xi32, #tpu.memory_space<vmem>>
        %dma_start3A_175 = tpu.memref_squeeze %dma_start3A_174 : memref<1x128xi32, #tpu.memory_space<vmem>> -> memref<128xi32, #tpu.memory_space<vmem>>
        %dma_start3A_176 = arith.constant 0 : i32
        %dma_start3A_177 = arith.constant 0 : i32
        %dma_start3A_178 = tpu.memref_slice %arg11[%dma_start3A_176, %dma_start3A_177] : memref<10000x32xf32, #tpu.memory_space<vmem_shared>> -> memref<10000x32xf32, #tpu.memory_space<vmem_shared>>
        tpu.enqueue_indirect_dma source(%dma_start3A_178 : memref<10000x32xf32, #tpu.memory_space<vmem_shared>>) target(%dma_start3A_172 : memref<128x32xf32, #tpu.memory_space<vmem>>) offsets(%dma_start3A_175 : memref<128xi32, #tpu.memory_space<vmem>>) semaphore(%arg14 : memref<!tpu.dma_semaphore, #tpu.memory_space<semaphore_mem>>)
      } else {
      }
      %mul3A_139 = arith.constant 4 : i32
      %mul3A_140 = arith.muli %scan3A_62, %mul3A_139 : i32
      %add3A_141 = arith.constant 3 : i32
      %add3A_142 = arith.addi %mul3A_140, %add3A_141 : i32
      %dma_wait3A_143 = arith.constant 3 : i32
      %dma_wait3A_144 = arith.constant 0 : i32
      %dma_wait3A_145 = arith.constant 0 : i32
      %dma_wait3A_146 = tpu.memref_slice %arg9[%dma_wait3A_143, %dma_wait3A_144, %dma_wait3A_145] : memref<4x128x32xf32, #tpu.memory_space<vmem>> -> memref<1x128x32xf32, #tpu.memory_space<vmem>>
      %dma_wait3A_147 = tpu.memref_squeeze %dma_wait3A_146 : memref<1x128x32xf32, #tpu.memory_space<vmem>> -> memref<128x32xf32, #tpu.memory_space<vmem>>
      %dma_wait3A_148 = arith.constant 0 : i32
      %dma_wait3A_149 = arith.constant 0 : i32
      %dma_wait3A_150 = tpu.memref_slice %arg11[%dma_wait3A_148, %dma_wait3A_149] : memref<10000x32xf32, #tpu.memory_space<vmem_shared>> -> memref<128x32xf32, #tpu.memory_space<vmem_shared>>
      %dma_wait3A_151 = arith.constant 0 : i32
      %dma_wait3A_152 = arith.constant 0 : i32
      %dma_wait3A_153 = tpu.memref_slice %arg9[%dma_wait3A_143, %dma_wait3A_151, %dma_wait3A_152] : memref<4x128x32xf32, #tpu.memory_space<vmem>> -> memref<1x128x32xf32, #tpu.memory_space<vmem>>
      %dma_wait3A_154 = tpu.memref_squeeze %dma_wait3A_153 : memref<1x128x32xf32, #tpu.memory_space<vmem>> -> memref<128x32xf32, #tpu.memory_space<vmem>>
      %dma_wait3A_155 = arith.constant 0 : i32
      %dma_wait3A_156 = arith.constant 0 : i32
      %dma_wait3A_157 = tpu.memref_slice %arg11[%dma_wait3A_155, %dma_wait3A_156] : memref<10000x32xf32, #tpu.memory_space<vmem_shared>> -> memref<128x32xf32, #tpu.memory_space<vmem_shared>>
      tpu.wait_dma2 semaphore(%arg15 : memref<!tpu.dma_semaphore, #tpu.memory_space<semaphore_mem>>) src(%dma_wait3A_157 : memref<128x32xf32, #tpu.memory_space<vmem_shared>>) dst(%dma_wait3A_154 : memref<128x32xf32, #tpu.memory_space<vmem>>)
      %run_scoped3A_158 = arith.constant 3 : i32
      "tpu.region"() ({
        %run_scoped3A_166 = tpu.sem_alloc : memref<!tpu.dma_semaphore, #tpu.memory_space<semaphore_mem>>
        %dma_start3A_167 = arith.constant 0 : i32
        %dma_start3A_168 = arith.constant 0 : i32
        %dma_start3A_169 = tpu.memref_slice %arg9[%run_scoped3A_158, %dma_start3A_167, %dma_start3A_168] : memref<4x128x32xf32, #tpu.memory_space<vmem>> -> memref<1x128x32xf32, #tpu.memory_space<vmem>>
        %dma_start3A_170 = tpu.memref_squeeze %dma_start3A_169 : memref<1x128x32xf32, #tpu.memory_space<vmem>> -> memref<128x32xf32, #tpu.memory_space<vmem>>
        %dma_start3A_171 = arith.constant 0 : i32
        %dma_start3A_172 = tpu.memref_slice %arg8[%add3A_142, %dma_start3A_171] : memref<80x128xi32, #tpu.memory_space<vmem>> -> memref<1x128xi32, #tpu.memory_space<vmem>>
        %dma_start3A_173 = tpu.memref_squeeze %dma_start3A_172 : memref<1x128xi32, #tpu.memory_space<vmem>> -> memref<128xi32, #tpu.memory_space<vmem>>
        %dma_start3A_174 = arith.constant 0 : i32
        %dma_start3A_175 = arith.constant 0 : i32
        %dma_start3A_176 = tpu.memref_slice %arg10[%dma_start3A_174, %dma_start3A_175] : memref<10112x32xf32, #tpu.memory_space<vmem_shared>> -> memref<10112x32xf32, #tpu.memory_space<vmem_shared>>
        tpu.enqueue_indirect_dma source(%dma_start3A_170 : memref<128x32xf32, #tpu.memory_space<vmem>>) target(%dma_start3A_176 : memref<10112x32xf32, #tpu.memory_space<vmem_shared>>) offsets(%dma_start3A_173 : memref<128xi32, #tpu.memory_space<vmem>>) semaphore(%run_scoped3A_166 : memref<!tpu.dma_semaphore, #tpu.memory_space<semaphore_mem>>) {add = true}
        %dma_wait3A_177 = arith.constant 0 : i32
        %dma_wait3A_178 = arith.constant 0 : i32
        %dma_wait3A_179 = tpu.memref_slice %arg9[%run_scoped3A_158, %dma_wait3A_177, %dma_wait3A_178] : memref<4x128x32xf32, #tpu.memory_space<vmem>> -> memref<1x128x32xf32, #tpu.memory_space<vmem>>
        %dma_wait3A_180 = tpu.memref_squeeze %dma_wait3A_179 : memref<1x128x32xf32, #tpu.memory_space<vmem>> -> memref<128x32xf32, #tpu.memory_space<vmem>>
        %dma_wait3A_181 = arith.constant 0 : i32
        %dma_wait3A_182 = tpu.memref_slice %arg8[%add3A_142, %dma_wait3A_181] : memref<80x128xi32, #tpu.memory_space<vmem>> -> memref<1x128xi32, #tpu.memory_space<vmem>>
        %dma_wait3A_183 = tpu.memref_squeeze %dma_wait3A_182 : memref<1x128xi32, #tpu.memory_space<vmem>> -> memref<128xi32, #tpu.memory_space<vmem>>
        %dma_wait3A_184 = arith.constant 0 : i32
        %dma_wait3A_185 = arith.constant 0 : i32
        %dma_wait3A_186 = tpu.memref_slice %arg10[%dma_wait3A_184, %dma_wait3A_185] : memref<10112x32xf32, #tpu.memory_space<vmem_shared>> -> memref<10112x32xf32, #tpu.memory_space<vmem_shared>>
        tpu.wait_indirect_dma semaphore(%run_scoped3A_166 : memref<!tpu.dma_semaphore, #tpu.memory_space<semaphore_mem>>) src(%dma_wait3A_180 : memref<128x32xf32, #tpu.memory_space<vmem>>) dst(%dma_wait3A_186 : memref<10112x32xf32, #tpu.memory_space<vmem_shared>>)
        tpu.yield
      }) : () -> ()
      %add3A_159 = arith.constant 4 : i32
      %add3A_160 = arith.addi %add3A_142, %add3A_159 : i32
      %lt3A_161 = arith.constant 80 : i32
      %lt3A_162 = arith.cmpi slt, %add3A_160, %lt3A_161 : i32
      %convert_element_type3A_163 = arith.extui %lt3A_162 : i1 to i32
      %cond3A_164 = arith.constant 0 : i32
      %cond3A_165 = arith.cmpi ne, %convert_element_type3A_163, %cond3A_164 : i32
      scf.if %cond3A_165 {
        %add3A_166 = arith.constant 4 : i32
        %add3A_167 = arith.addi %add3A_142, %add3A_166 : i32
        %dma_start3A_168 = arith.constant 3 : i32
        %dma_start3A_169 = arith.constant 0 : i32
        %dma_start3A_170 = arith.constant 0 : i32
        %dma_start3A_171 = tpu.memref_slice %arg9[%dma_start3A_168, %dma_start3A_169, %dma_start3A_170] : memref<4x128x32xf32, #tpu.memory_space<vmem>> -> memref<1x128x32xf32, #tpu.memory_space<vmem>>
        %dma_start3A_172 = tpu.memref_squeeze %dma_start3A_171 : memref<1x128x32xf32, #tpu.memory_space<vmem>> -> memref<128x32xf32, #tpu.memory_space<vmem>>
        %dma_start3A_173 = arith.constant 0 : i32
        %dma_start3A_174 = tpu.memref_slice %arg7[%add3A_167, %dma_start3A_173] : memref<80x128xi32, #tpu.memory_space<vmem>> -> memref<1x128xi32, #tpu.memory_space<vmem>>
        %dma_start3A_175 = tpu.memref_squeeze %dma_start3A_174 : memref<1x128xi32, #tpu.memory_space<vmem>> -> memref<128xi32, #tpu.memory_space<vmem>>
        %dma_start3A_176 = arith.constant 0 : i32
        %dma_start3A_177 = arith.constant 0 : i32
        %dma_start3A_178 = tpu.memref_slice %arg11[%dma_start3A_176, %dma_start3A_177] : memref<10000x32xf32, #tpu.memory_space<vmem_shared>> -> memref<10000x32xf32, #tpu.memory_space<vmem_shared>>
        tpu.enqueue_indirect_dma source(%dma_start3A_178 : memref<10000x32xf32, #tpu.memory_space<vmem_shared>>) target(%dma_start3A_172 : memref<128x32xf32, #tpu.memory_space<vmem>>) offsets(%dma_start3A_175 : memref<128xi32, #tpu.memory_space<vmem>>) semaphore(%arg15 : memref<!tpu.dma_semaphore, #tpu.memory_space<semaphore_mem>>)
      } else {
      }
    }
    %scan3A_60 = arith.constant 20 : i32
    %barrier3A_61 = arith.constant 0 : index
    tpu.barrier barrier_id(%barrier3A_61)
    "tpu.region"() ({
      %run_scoped3A = tpu.sem_alloc : memref<!tpu.dma_semaphore, #tpu.memory_space<semaphore_mem>>
      %dma_start3A_62 = arith.constant 0 : i32
      %dma_start3A_63 = tpu.memref_slice %arg6[%arg0, %mul3A_2, %dma_start3A_62] : memref<2x10112x32xf32, #tpu.memory_space<hbm>> -> memref<1x632x32xf32, #tpu.memory_space<hbm>>
      %dma_start3A_64 = tpu.memref_squeeze %dma_start3A_63 : memref<1x632x32xf32, #tpu.memory_space<hbm>> -> memref<632x32xf32, #tpu.memory_space<hbm>>
      %dma_start3A_65 = arith.constant 0 : i32
      %dma_start3A_66 = tpu.memref_slice %arg10[%mul3A_2, %dma_start3A_65] : memref<10112x32xf32, #tpu.memory_space<vmem_shared>> -> memref<632x32xf32, #tpu.memory_space<vmem_shared>>
      tpu.enqueue_dma source(%dma_start3A_66 : memref<632x32xf32, #tpu.memory_space<vmem_shared>>) target(%dma_start3A_64 : memref<632x32xf32, #tpu.memory_space<hbm>>) target_semaphore(%run_scoped3A : memref<!tpu.dma_semaphore, #tpu.memory_space<semaphore_mem>>)
      %dma_wait3A = arith.constant 0 : i32
      %dma_wait3A_67 = tpu.memref_slice %arg6[%arg0, %mul3A_2, %dma_wait3A] : memref<2x10112x32xf32, #tpu.memory_space<hbm>> -> memref<1x632x32xf32, #tpu.memory_space<hbm>>
      %dma_wait3A_68 = tpu.memref_squeeze %dma_wait3A_67 : memref<1x632x32xf32, #tpu.memory_space<hbm>> -> memref<632x32xf32, #tpu.memory_space<hbm>>
      %dma_wait3A_69 = arith.constant 0 : i32
      %dma_wait3A_70 = tpu.memref_slice %arg10[%mul3A_2, %dma_wait3A_69] : memref<10112x32xf32, #tpu.memory_space<vmem_shared>> -> memref<632x32xf32, #tpu.memory_space<vmem_shared>>
      tpu.wait_dma2 semaphore(%run_scoped3A : memref<!tpu.dma_semaphore, #tpu.memory_space<semaphore_mem>>) src(%dma_wait3A_70 : memref<632x32xf32, #tpu.memory_space<vmem_shared>>) dst(%dma_wait3A_68 : memref<632x32xf32, #tpu.memory_space<hbm>>)
      tpu.yield
    }) : () -> ()
    return
  }
}

module attributes {stable_mosaic.version = 14 : i64} {
  func.func @_mm1_body(%arg0: i32, %arg1: memref<2000x128xf32, #tpu.memory_space<vmem>>, %arg2: memref<64x128xf32, #tpu.memory_space<vmem>>, %arg3: memref<64x128xf32, #tpu.memory_space<vmem>>, %arg4: memref<2000x64xf32, #tpu.memory_space<vmem>>, %arg5: memref<2000x64xf32, #tpu.memory_space<vmem>>) attributes {dimension_semantics = [#tpu.dimension_semantics<arbitrary>], iteration_bounds = array<i64: 5>, scalar_prefetch = 0 : i64, scratch_operands = 0 : i64, tpu.core_type = #tpu.core_type<tc>, window_params = [{transform_indices = @transform_0, window_bounds = array<i64: 2000, 128>}, {pipeline_mode = #tpu.pipeline_mode<synchronous>, transform_indices = @transform_1, window_bounds = array<i64: 64, 128>}, {pipeline_mode = #tpu.pipeline_mode<synchronous>, transform_indices = @transform_2, window_bounds = array<i64: 64, 128>}, {transform_indices = @transform_3, window_bounds = array<i64: 2000, 64>}, {transform_indices = @transform_4, window_bounds = array<i64: 2000, 64>}]} {
    %get3A = arith.constant 0 : index
    %get3A_0 = arith.constant 0 : index
    %get3A_1 = vector.load %arg1[%get3A, %get3A_0] : memref<2000x128xf32, #tpu.memory_space<vmem>>, vector<2000x128xf32>
    %get3A_2 = arith.constant 0 : index
    %get3A_3 = arith.constant 0 : index
    %get3A_4 = vector.load %arg2[%get3A_2, %get3A_3] : memref<64x128xf32, #tpu.memory_space<vmem>>, vector<64x128xf32>
    %dot_general3A = arith.constant dense<0.000000e+00> : vector<2000x64xf32>
    %dot_general3A_5 = tpu.matmul %get3A_1, %get3A_4, %dot_general3A {dimension_numbers = #tpu.dot_dimension_numbers<[1], [1], [0], [0], [0, 0, 1, 0], [], []>, transpose_lhs_hint = false} : vector<2000x128xf32>, vector<64x128xf32>, vector<2000x64xf32> -> vector<2000x64xf32>
    %swap3A = arith.constant 0 : index
    %swap3A_6 = arith.constant 0 : index
    %swap3A_7 = vector.load %arg4[%swap3A, %swap3A_6] : memref<2000x64xf32, #tpu.memory_space<vmem>>, vector<2000x64xf32>
    tpu.vector_store %arg4[%swap3A, %swap3A_6], %dot_general3A_5 {strides = array<i32>} : memref<2000x64xf32, #tpu.memory_space<vmem>>, vector<2000x64xf32>,
    %get3A_8 = arith.constant 0 : index
    %get3A_9 = arith.constant 0 : index
    %get3A_10 = vector.load %arg3[%get3A_8, %get3A_9] : memref<64x128xf32, #tpu.memory_space<vmem>>, vector<64x128xf32>
    %dot_general3A_11 = arith.constant dense<0.000000e+00> : vector<2000x64xf32>
    %dot_general3A_12 = tpu.matmul %get3A_1, %get3A_10, %dot_general3A_11 {dimension_numbers = #tpu.dot_dimension_numbers<[1], [1], [0], [0], [0, 0, 1, 0], [], []>, transpose_lhs_hint = false} : vector<2000x128xf32>, vector<64x128xf32>, vector<2000x64xf32> -> vector<2000x64xf32>
    %swap3A_13 = arith.constant 0 : index
    %swap3A_14 = arith.constant 0 : index
    %swap3A_15 = vector.load %arg5[%swap3A_13, %swap3A_14] : memref<2000x64xf32, #tpu.memory_space<vmem>>, vector<2000x64xf32>
    tpu.vector_store %arg5[%swap3A_13, %swap3A_14], %dot_general3A_12 {strides = array<i32>} : memref<2000x64xf32, #tpu.memory_space<vmem>>, vector<2000x64xf32>,
    return
  }
  func.func @transform_0(%arg0: i32) -> (i32, i32) {
    %c0_i32 = arith.constant 0 : i32
    %c0_i32_0 = arith.constant 0 : i32
    return %arg0, %c0_i32 : i32, i32
  }
  func.func @transform_1(%arg0: i32) -> (i32, i32) {
    %c0_i32 = arith.constant 0 : i32
    %c0_i32_0 = arith.constant 0 : i32
    %c0_i32_1 = arith.constant 0 : i32
    return %c0_i32, %c0_i32_0 : i32, i32
  }
  func.func @transform_2(%arg0: i32) -> (i32, i32) {
    %c0_i32 = arith.constant 0 : i32
    %c0_i32_0 = arith.constant 0 : i32
    %c0_i32_1 = arith.constant 0 : i32
    return %c0_i32, %c0_i32_0 : i32, i32
  }
  func.func @transform_3(%arg0: i32) -> (i32, i32) {
    %c0_i32 = arith.constant 0 : i32
    %c0_i32_0 = arith.constant 0 : i32
    return %arg0, %c0_i32 : i32, i32
  }
  func.func @transform_4(%arg0: i32) -> (i32, i32) {
    %c0_i32 = arith.constant 0 : i32
    %c0_i32_0 = arith.constant 0 : i32
    return %arg0, %c0_i32 : i32, i32
  }
}

module attributes {stable_mosaic.version = 14 : i64} {
  func.func @_comb1_body(%arg0: i32, %arg1: memref<2000x64xf32, #tpu.memory_space<vmem>>, %arg2: memref<2000x1xf32, #tpu.memory_space<vmem>>, %arg3: memref<2000x64xf32, #tpu.memory_space<vmem>>, %arg4: memref<32x64xf32, #tpu.memory_space<vmem>>, %arg5: memref<32x64xf32, #tpu.memory_space<vmem>>, %arg6: memref<1x64xf32, #tpu.memory_space<vmem>>, %arg7: memref<2000x32xf32, #tpu.memory_space<vmem>>, %arg8: memref<2000x32xf32, #tpu.memory_space<vmem>>) attributes {dimension_semantics = [#tpu.dimension_semantics<arbitrary>], iteration_bounds = array<i64: 5>, scalar_prefetch = 0 : i64, scratch_operands = 0 : i64, tpu.core_type = #tpu.core_type<tc>, window_params = [{transform_indices = @transform_0, window_bounds = array<i64: 2000, 64>}, {transform_indices = @transform_1, window_bounds = array<i64: 2000, 1>}, {transform_indices = @transform_2, window_bounds = array<i64: 2000, 64>}, {pipeline_mode = #tpu.pipeline_mode<synchronous>, transform_indices = @transform_3, window_bounds = array<i64: 32, 64>}, {pipeline_mode = #tpu.pipeline_mode<synchronous>, transform_indices = @transform_4, window_bounds = array<i64: 32, 64>}, {pipeline_mode = #tpu.pipeline_mode<synchronous>, transform_indices = @transform_5, window_bounds = array<i64: 1, 64>}, {transform_indices = @transform_6, window_bounds = array<i64: 2000, 32>}, {transform_indices = @transform_7, window_bounds = array<i64: 2000, 32>}]} {
    %get3A = arith.constant 0 : index
    %get3A_0 = arith.constant 0 : index
    %get3A_1 = vector.load %arg2[%get3A, %get3A_0] : memref<2000x1xf32, #tpu.memory_space<vmem>>, vector<2000x1xf32>
    %max3A = arith.constant 1.000000e+00 : f32
    %max3A_2 = vector.broadcast %max3A : f32 to vector<2000x1xf32>
    %max3A_3 = arith.maximumf %get3A_1, %max3A_2 : vector<2000x1xf32>
    %div3A = arith.constant 1.000000e+00 : f32
    %div3A_4 = vector.broadcast %div3A : f32 to vector<2000x1xf32>
    %div3A_5 = arith.divf %div3A_4, %max3A_3 : vector<2000x1xf32>
    %get3A_6 = arith.constant 0 : index
    %get3A_7 = arith.constant 0 : index
    %get3A_8 = vector.load %arg1[%get3A_6, %get3A_7] : memref<2000x64xf32, #tpu.memory_space<vmem>>, vector<2000x64xf32>
    %mul3A = vector.broadcast %div3A_5 : vector<2000x1xf32> to vector<2000x64xf32>
    %mul3A_9 = arith.mulf %get3A_8, %mul3A : vector<2000x64xf32>
    %get3A_10 = arith.constant 0 : index
    %get3A_11 = arith.constant 0 : index
    %get3A_12 = vector.load %arg6[%get3A_10, %get3A_11] : memref<1x64xf32, #tpu.memory_space<vmem>>, vector<1x64xf32>
    %add3A = vector.broadcast %get3A_12 : vector<1x64xf32> to vector<2000x64xf32>
    %add3A_13 = arith.addf %mul3A_9, %add3A : vector<2000x64xf32>
    %get3A_14 = arith.constant 0 : index
    %get3A_15 = arith.constant 0 : index
    %get3A_16 = vector.load %arg3[%get3A_14, %get3A_15] : memref<2000x64xf32, #tpu.memory_space<vmem>>, vector<2000x64xf32>
    %add3A_17 = arith.addf %add3A_13, %get3A_16 : vector<2000x64xf32>
    %max3A_18 = arith.constant 0.000000e+00 : f32
    %max3A_19 = vector.broadcast %max3A_18 : f32 to vector<2000x64xf32>
    %max3A_20 = arith.maximumf %add3A_17, %max3A_19 : vector<2000x64xf32>
    %get3A_21 = arith.constant 0 : index
    %get3A_22 = arith.constant 0 : index
    %get3A_23 = vector.load %arg4[%get3A_21, %get3A_22] : memref<32x64xf32, #tpu.memory_space<vmem>>, vector<32x64xf32>
    %dot_general3A = arith.constant dense<0.000000e+00> : vector<2000x32xf32>
    %dot_general3A_24 = tpu.matmul %max3A_20, %get3A_23, %dot_general3A {dimension_numbers = #tpu.dot_dimension_numbers<[1], [1], [0], [0], [0, 0, 1, 0], [], []>, transpose_lhs_hint = false} : vector<2000x64xf32>, vector<32x64xf32>, vector<2000x32xf32> -> vector<2000x32xf32>
    %swap3A = arith.constant 0 : index
    %swap3A_25 = arith.constant 0 : index
    %swap3A_26 = vector.load %arg7[%swap3A, %swap3A_25] : memref<2000x32xf32, #tpu.memory_space<vmem>>, vector<2000x32xf32>
    tpu.vector_store %arg7[%swap3A, %swap3A_25], %dot_general3A_24 {strides = array<i32>} : memref<2000x32xf32, #tpu.memory_space<vmem>>, vector<2000x32xf32>,
    %get3A_27 = arith.constant 0 : index
    %get3A_28 = arith.constant 0 : index
    %get3A_29 = vector.load %arg5[%get3A_27, %get3A_28] : memref<32x64xf32, #tpu.memory_space<vmem>>, vector<32x64xf32>
    %dot_general3A_30 = arith.constant dense<0.000000e+00> : vector<2000x32xf32>
    %dot_general3A_31 = tpu.matmul %max3A_20, %get3A_29, %dot_general3A_30 {dimension_numbers = #tpu.dot_dimension_numbers<[1], [1], [0], [0], [0, 0, 1, 0], [], []>, transpose_lhs_hint = false} : vector<2000x64xf32>, vector<32x64xf32>, vector<2000x32xf32> -> vector<2000x32xf32>
    %swap3A_32 = arith.constant 0 : index
    %swap3A_33 = arith.constant 0 : index
    %swap3A_34 = vector.load %arg8[%swap3A_32, %swap3A_33] : memref<2000x32xf32, #tpu.memory_space<vmem>>, vector<2000x32xf32>
    tpu.vector_store %arg8[%swap3A_32, %swap3A_33], %dot_general3A_31 {strides = array<i32>} : memref<2000x32xf32, #tpu.memory_space<vmem>>, vector<2000x32xf32>,
    return
  }
  func.func @transform_0(%arg0: i32) -> (i32, i32) {
    %c0_i32 = arith.constant 0 : i32
    %c0_i32_0 = arith.constant 0 : i32
    return %arg0, %c0_i32 : i32, i32
  }
  func.func @transform_1(%arg0: i32) -> (i32, i32) {
    %c0_i32 = arith.constant 0 : i32
    %c0_i32_0 = arith.constant 0 : i32
    return %arg0, %c0_i32 : i32, i32
  }
  func.func @transform_2(%arg0: i32) -> (i32, i32) {
    %c0_i32 = arith.constant 0 : i32
    %c0_i32_0 = arith.constant 0 : i32
    return %arg0, %c0_i32 : i32, i32
  }
  func.func @transform_3(%arg0: i32) -> (i32, i32) {
    %c0_i32 = arith.constant 0 : i32
    %c0_i32_0 = arith.constant 0 : i32
    %c0_i32_1 = arith.constant 0 : i32
    return %c0_i32, %c0_i32_0 : i32, i32
  }
  func.func @transform_4(%arg0: i32) -> (i32, i32) {
    %c0_i32 = arith.constant 0 : i32
    %c0_i32_0 = arith.constant 0 : i32
    %c0_i32_1 = arith.constant 0 : i32
    return %c0_i32, %c0_i32_0 : i32, i32
  }
  func.func @transform_5(%arg0: i32) -> (i32, i32) {
    %c0_i32 = arith.constant 0 : i32
    %c0_i32_0 = arith.constant 0 : i32
    %c0_i32_1 = arith.constant 0 : i32
    return %c0_i32, %c0_i32_0 : i32, i32
  }
  func.func @transform_6(%arg0: i32) -> (i32, i32) {
    %c0_i32 = arith.constant 0 : i32
    %c0_i32_0 = arith.constant 0 : i32
    return %arg0, %c0_i32 : i32, i32
  }
  func.func @transform_7(%arg0: i32) -> (i32, i32) {
    %c0_i32 = arith.constant 0 : i32
    %c0_i32_0 = arith.constant 0 : i32
    return %arg0, %c0_i32 : i32, i32
  }
}

module attributes {stable_mosaic.version = 14 : i64} {
  func.func @_comb2_body(%arg0: i32, %arg1: memref<1x2000x32xf32, #tpu.memory_space<vmem>>, %arg2: memref<1x2000x32xf32, #tpu.memory_space<vmem>>, %arg3: memref<2000x1xf32, #tpu.memory_space<vmem>>, %arg4: memref<2000x32xf32, #tpu.memory_space<vmem>>, %arg5: memref<1x32xf32, #tpu.memory_space<vmem>>, %arg6: memref<2000x32xf32, #tpu.memory_space<vmem>>) attributes {dimension_semantics = [#tpu.dimension_semantics<arbitrary>], iteration_bounds = array<i64: 5>, scalar_prefetch = 0 : i64, scratch_operands = 0 : i64, tpu.core_type = #tpu.core_type<tc>, window_params = [{transform_indices = @transform_0, window_bounds = array<i64: 1, 2000, 32>}, {transform_indices = @transform_1, window_bounds = array<i64: 1, 2000, 32>}, {transform_indices = @transform_2, window_bounds = array<i64: 2000, 1>}, {transform_indices = @transform_3, window_bounds = array<i64: 2000, 32>}, {pipeline_mode = #tpu.pipeline_mode<synchronous>, transform_indices = @transform_4, window_bounds = array<i64: 1, 32>}, {transform_indices = @transform_5, window_bounds = array<i64: 2000, 32>}]} {
    %get3A = arith.constant 0 : index
    %get3A_0 = arith.constant 0 : index
    %get3A_1 = vector.load %arg3[%get3A, %get3A_0] : memref<2000x1xf32, #tpu.memory_space<vmem>>, vector<2000x1xf32>
    %max3A = arith.constant 1.000000e+00 : f32
    %max3A_2 = vector.broadcast %max3A : f32 to vector<2000x1xf32>
    %max3A_3 = arith.maximumf %get3A_1, %max3A_2 : vector<2000x1xf32>
    %div3A = arith.constant 1.000000e+00 : f32
    %div3A_4 = vector.broadcast %div3A : f32 to vector<2000x1xf32>
    %div3A_5 = arith.divf %div3A_4, %max3A_3 : vector<2000x1xf32>
    %get3A_6 = arith.constant 0 : index
    %get3A_7 = arith.constant 0 : index
    %get3A_8 = arith.constant 0 : index
    %get3A_9 = vector.load %arg1[%get3A_6, %get3A_7, %get3A_8] : memref<1x2000x32xf32, #tpu.memory_space<vmem>>, vector<1x2000x32xf32>
    %squeeze3A = vector.shape_cast %get3A_9 : vector<1x2000x32xf32> to vector<2000x32xf32>
    %get3A_10 = arith.constant 0 : index
    %get3A_11 = arith.constant 0 : index
    %get3A_12 = arith.constant 0 : index
    %get3A_13 = vector.load %arg2[%get3A_10, %get3A_11, %get3A_12] : memref<1x2000x32xf32, #tpu.memory_space<vmem>>, vector<1x2000x32xf32>
    %squeeze3A_14 = vector.shape_cast %get3A_13 : vector<1x2000x32xf32> to vector<2000x32xf32>
    %add3A = arith.addf %squeeze3A, %squeeze3A_14 : vector<2000x32xf32>
    %mul3A = vector.broadcast %div3A_5 : vector<2000x1xf32> to vector<2000x32xf32>
    %mul3A_15 = arith.mulf %add3A, %mul3A : vector<2000x32xf32>
    %get3A_16 = arith.constant 0 : index
    %get3A_17 = arith.constant 0 : index
    %get3A_18 = vector.load %arg5[%get3A_16, %get3A_17] : memref<1x32xf32, #tpu.memory_space<vmem>>, vector<1x32xf32>
    %add3A_19 = vector.broadcast %get3A_18 : vector<1x32xf32> to vector<2000x32xf32>
    %add3A_20 = arith.addf %mul3A_15, %add3A_19 : vector<2000x32xf32>
    %get3A_21 = arith.constant 0 : index
    %get3A_22 = arith.constant 0 : index
    %get3A_23 = vector.load %arg4[%get3A_21, %get3A_22] : memref<2000x32xf32, #tpu.memory_space<vmem>>, vector<2000x32xf32>
    %add3A_24 = arith.addf %add3A_20, %get3A_23 : vector<2000x32xf32>
    %swap3A = arith.constant 0 : index
    %swap3A_25 = arith.constant 0 : index
    %swap3A_26 = vector.load %arg6[%swap3A, %swap3A_25] : memref<2000x32xf32, #tpu.memory_space<vmem>>, vector<2000x32xf32>
    tpu.vector_store %arg6[%swap3A, %swap3A_25], %add3A_24 {strides = array<i32>} : memref<2000x32xf32, #tpu.memory_space<vmem>>, vector<2000x32xf32>,
    return
  }
  func.func @transform_0(%arg0: i32) -> (i32, i32, i32) {
    %c0_i32 = arith.constant 0 : i32
    %c0_i32_0 = arith.constant 0 : i32
    %c0_i32_1 = arith.constant 0 : i32
    return %c0_i32, %arg0, %c0_i32_0 : i32, i32, i32
  }
  func.func @transform_1(%arg0: i32) -> (i32, i32, i32) {
    %c1_i32 = arith.constant 1 : i32
    %c0_i32 = arith.constant 0 : i32
    %c0_i32_0 = arith.constant 0 : i32
    return %c1_i32, %arg0, %c0_i32 : i32, i32, i32
  }
  func.func @transform_2(%arg0: i32) -> (i32, i32) {
    %c0_i32 = arith.constant 0 : i32
    %c0_i32_0 = arith.constant 0 : i32
    return %arg0, %c0_i32 : i32, i32
  }
  func.func @transform_3(%arg0: i32) -> (i32, i32) {
    %c0_i32 = arith.constant 0 : i32
    %c0_i32_0 = arith.constant 0 : i32
    return %arg0, %c0_i32 : i32, i32
  }
  func.func @transform_4(%arg0: i32) -> (i32, i32) {
    %c0_i32 = arith.constant 0 : i32
    %c0_i32_0 = arith.constant 0 : i32
    %c0_i32_1 = arith.constant 0 : i32
    return %c0_i32, %c0_i32_0 : i32, i32
  }
  func.func @transform_5(%arg0: i32) -> (i32, i32) {
    %c0_i32 = arith.constant 0 : i32
    %c0_i32_0 = arith.constant 0 : i32
    return %arg0, %c0_i32 : i32, i32
  }
}

</mosaic_0001>

<sc_bundles>
// kernel: kernel.10.cloned.1.call-start
scs
__scs_entry_jumppad:
0x0: {  	(pc) =	sbr.rel $0x88, $3  }
0x1: {  	(tag) =	ssettag $0x0;
	lr =	simm.s32 $0x1  }
0x2: {  	[smem:$0x3F99] =	sst lr;
	_ =	strace $0xD0000000  }
0x3: {  	_ = 	snop  }
0x4: {  	_ = 	snop  }
0x5: {  	_ = 	snop  }
0x6: {  	_ = 	snop  }
0x7: {  	_ = 	snop  }
__scs_overlays_trampoline_lowered:
0x8: {  	[smem:$0x3FA8] =	sst s0  }
0x9: {  	[smem:$0x3FA9] =	sst s1  }
0xa: {  	[smem:$0x3FAA] =	sst s2  }
0xb: {  	[smem:$0x3FAB] =	sst s3  }
0xc: {  	[smem:$0x3FAC] =	sst s4  }
0xd: {  	[smem:$0x3FAD] =	sst s5  }
0xe: {  	[smem:$0x3FAE] =	sst s6  }
0xf: {  	[smem:$0x3FAF] =	sst s7  }
0x10: {  	[smem:$0x3FB0] =	sst s8  }
0x11: {  	[smem:$0x3FB1] =	sst s9;
	s0 =	simm.s32 @!p0 $0x0  }
0x12: {  	s1 =	sld [smem:$0x3F97];
	s0 =	simm.s32 @p0 $0x1  }
0x13: {  	[smem:$0x3FB2] =	sst s0;
	s0 =	simm.s32 @!p1 $0x0  }
0x14: {  	s2 =	sld [smem:$0x3F96];
	s0 =	simm.s32 @p1 $0x1  }
0x15: {  	[smem:$0x3FB3] =	sst s0;
	s0 =	simm.s32 @!p2 $0x0  }
0x16: {  	s3 =	sld [smem:$0x3FDB];
	s0 =	simm.s32 @p2 $0x1  }
0x17: {  	s4 =	simm.s32 $0x1BF5;
	[smem:$0x3FB5] =	sst s0  }
0x18: {  	s0 =	sld [smem:$0x3F98];
	_ =	swait.ge [sflag:s4], $0x0  }
0x19: {  	s7 =	sld [smem:$0x3F99]  }
0x1a: {  	s8 =	sadd.s32 $0xFFFFE003, lr  }
0x1b: {  	s9 =	sadd.s32 $0xFFFFFEF7, lr;
	s5 =	simm.s32 $0xFFFFFFFF;
	p2 =	slt.u32 s8, $0xFFFFF086  }
0x1c: {  	p1 =	slt.u32 s9, $0xF7A;
	s5 =	simm.s32 @!p2 $0x0  }
0x1d: {  	s5 =	simm.s32 @p1 $0x1;
	p0 =	seq.s32 s7, s2  }
0x1e: {  	s7 =	smul.u32 @!p0 $0xF7A, s2;
	p2 =	seq.s32 @!p0 s5, $0x0  }
0x1f: {  	s9 =	smul.u32 $0xF7A, s1;
	s8 =	simm.s32 @!p0 $0x1BF5;
	p2 =	por !p2, p0  }
0x20: {  	[sflag:s8] =	ssyncset.s32 @!p0 $0xFFFFF086;
	s6 =	sadd.s32 @!p0 s3, s7;
	s7 =	simm.s32 @!p0 $0x108  }
0x21: {  	s3 =	sadd.s32 s3, s9;
	s6 =	sadd.s32 @!p0 $0x88, s6;
	s7 =	simm.s32 @p2 $0x1082  }
0x22: {  	[simem:s7], [sflag:s8] =	dma.local @!p0 [hbm:s6], $0xF7A  }
0x23: {  	s9 =	sor.u32 $0xD0000000, s2;
	s6 =	simm.s32 $0x108;
	_ =	swait.ge @!p0 [sflag:s8], $0x0  }
0x24: {  	s3 =	sadd.s32 $0x88, s3;
	s6 =	simm.s32 @!p1 $0x1082;
	[sflag:s4] =	ssyncset.s32 $0xFFFFF086  }
0x25: {  	[simem:s6], [sflag:s4] =	dma.local [hbm:s3], $0xF7A  }
0x26: {  	[smem:$0x3F99] =	sst s1;
	(tag) =	ssettag s2;
	_ =	strace s9  }
0x27: {  	s1 =	sld [smem:$0x3FA9]  }
0x28: {  	s2 =	sld [smem:$0x3FAA]  }
0x29: {  	s4 =	sld [smem:$0x3FAC]  }
0x2a: {  	p0 =	seq.s32 s5, $0x0;
	s5 =	sld [smem:$0x3FAD]  }
0x2b: {  	s6 =	sld [smem:$0x3FAE]  }
0x2c: {  	s7 =	sld [smem:$0x3FAF]  }
0x2d: {  	s3 =	simm.s32 $0x108;
	s8 =	sld [smem:$0x3FB0]  }
0x2e: {  	s3 =	simm.s32 @!p0 $0x1082;
	s9 =	sld [smem:$0x3FB1]  }
0x2f: {  	lr =	sadd.s32 s0, s3;
	s0 =	sld [smem:$0x3FA8]  }
0x30: {  	s3 =	sld [smem:$0x3FAB]  }
0x31: {  	[smem:$0x3FB4] =	sst s10  }
0x32: {  	s10 =	sld [smem:$0x3FB2];
	_ =	sdelay $0x3  }
0x33: {  	p0 =	seq.s32 s10, $0x1;
	s10 =	sld [smem:$0x3FB4];
	_ =	sdelay $0x3  }
0x34: {  	[smem:$0x3FB4] =	sst s10  }
0x35: {  	s10 =	sld [smem:$0x3FB3];
	_ =	sdelay $0x3  }
0x36: {  	p1 =	seq.s32 s10, $0x1;
	s10 =	sld [smem:$0x3FB4];
	_ =	sdelay $0x3  }
0x37: {  	[smem:$0x3FB4] =	sst s10  }
0x38: {  	s10 =	sld [smem:$0x3FB5]  }
0x39: {  	_ = 	snop;
	(pc) =	sbr.ind lr, $3  }
0x3a: {  	_ = 	snop  }
0x3b: {  	_ = 	snop  }
0x3c: {  	p2 =	seq.s32 s10, $0x1;
	s10 =	sld [smem:$0x3FB4]  }
0x3d: {  	_ =	shalt  }
0x3e: {  	_ =	shalt  }
0x3f: {  	_ =	shalt  }
0x40: {  	_ =	shalt  }
0x41: {  	_ =	shalt  }
0x42: {  	_ =	shalt  }
0x43: {  	_ =	shalt  }
0x44: {  	_ =	shalt  }
0x45: {  	_ =	shalt  }
0x46: {  	_ =	shalt  }
0x47: {  	_ =	shalt  }
0x48: {  	_ =	shalt  }
0x49: {  	_ =	shalt  }
0x4a: {  	_ =	shalt  }
0x4b: {  	_ =	shalt  }
0x4c: {  	_ =	shalt  }
0x4d: {  	_ =	shalt  }
0x4e: {  	_ =	shalt  }
0x4f: {  	_ =	shalt  }
0x50: {  	_ =	shalt  }
0x51: {  	_ =	shalt  }
0x52: {  	_ =	shalt  }
0x53: {  	_ =	shalt  }
0x54: {  	_ =	shalt  }
0x55: {  	_ =	shalt  }
0x56: {  	_ =	shalt  }
0x57: {  	_ =	shalt  }
0x58: {  	_ =	shalt  }
0x59: {  	_ =	shalt  }
0x5a: {  	_ =	shalt  }
0x5b: {  	_ =	shalt  }
0x5c: {  	_ =	shalt  }
0x5d: {  	_ =	shalt  }
0x5e: {  	_ =	shalt  }
0x5f: {  	_ =	shalt  }
0x60: {  	_ =	shalt  }
0x61: {  	_ =	shalt  }
0x62: {  	_ =	shalt  }
0x63: {  	_ =	shalt  }
0x64: {  	_ =	shalt  }
0x65: {  	_ =	shalt  }
0x66: {  	_ =	shalt  }
0x67: {  	_ =	shalt  }
0x68: {  	_ =	shalt  }
0x69: {  	_ =	shalt  }
0x6a: {  	_ =	shalt  }
0x6b: {  	_ =	shalt  }
0x6c: {  	_ =	shalt  }
0x6d: {  	_ =	shalt  }
0x6e: {  	_ =	shalt  }
0x6f: {  	_ =	shalt  }
0x70: {  	_ =	shalt  }
0x71: {  	_ =	shalt  }
0x72: {  	_ =	shalt  }
0x73: {  	_ =	shalt  }
0x74: {  	_ =	shalt  }
0x75: {  	_ =	shalt  }
0x76: {  	_ =	shalt  }
0x77: {  	_ =	shalt  }
0x78: {  	_ =	shalt  }
0x79: {  	_ =	shalt  }
0x7a: {  	_ =	shalt  }
0x7b: {  	_ =	shalt  }
0x7c: {  	_ =	shalt  }
0x7d: {  	_ =	shalt  }
0x7e: {  	_ =	shalt  }
0x7f: {  	_ =	shalt  }
0x80: {  	_ =	shalt  }
0x81: {  	_ =	shalt  }
0x82: {  	_ =	shalt  }
0x83: {  	_ =	shalt  }
0x84: {  	_ =	shalt  }
0x85: {  	_ =	shalt  }
0x86: {  	_ =	shalt  }
0x87: {  	_ =	shalt  }
.Lfunc_end0:
.L_simem_size_0:
called_computation.1_lowered:
.L_overlay_start_0:
0x88: {  	s2 =	sld [smem:$0x3FD9]  }
0x89: {  	s3 =	sld [smem:$0x3FFE];
	_ =	sdelay $0x1  }
0x8a: {  	s1 =	srdreg.scid  }
0x8b: {  	s0 =	sand.u32 $0x1, s1  }
0x8c: {  	s17 =	sshll.u32 s0, $0xA;
	s2 =	sadd.s32 s3, s2  }
0x8d: {  	s2 =	sadd.s32 s2, s17  }
0x8e: {  	[smem:$0x3FC0] =	sst s2  }
0x8f: {  	_ = 	snop  }
0x90: {  	s2 =	sld [smem:$0x3FD0];
	(tm) =	ssettm $0x1  }
0x91: {  	s18 =	sld [smem:$0x3FFB];
	_ =	sdelay $0x3  }
0x92: {  	_ =	strace s18  }
0x93: {  	s3 =	sld [smem:$0x3FFC];
	_ =	sdelay $0x3  }
0x94: {  	_ =	strace s3  }
0x95: {  	s3 =	sld [smem:$0x3FFD];
	_ =	sdelay $0x3  }
0x96: {  	_ =	strace s3  }
0x97: {  	_ =	strace $0x8FFFFFFF  }
0x98: {  	s19 =	sld [smem:$0x3FDB];
	_ =	sdelay $0x1  }
0x99: {  	s4 =	simm.s32 $_scs_section_size  }
0x9a: {  	s5 =	simm.s32 $_size__tile_overlayer_lowered;
	s6 =	simm.s32 $_tile_overlayer_lowered  }
0x9b: {  	s22 =	simm.s32 $0x1BFF;
	s21 =	sshll.u32 s6, $0x1;
	s3 =	sadd.s32 s4, s19  }
0x9c: {  	s7 =	simm.s32 $0x0;
	s20 =	sshll.u32 s5, $0x1;
	s5 =	sadd.s32 s21, s3  }
0x9d: {  	[timem:s7], [sflag:s22] =	dma.local [hbm:s5], s20  }
0x9e: {  	_ =	swait.ge [sflag:s22], s20  }
0x9f: {  	s4 =	ssub.s32 $0x0, s20;
	[sflag:s22] =	ssyncset.done $0x0  }
0xa0: {  	[sflag:s22] =	ssyncadd.s32 s4;
	_ =	sdelay $0x1  }
0xa1: {  	s23 =	simm.s32 $0x1B8B  }
0xa2: {  	_ =	swait.ge [sflag:s23], $0x1  }
0xa3: {  	[sflag:s23] =	ssyncset.done $0x0  }
0xa4: {  	s25 =	simm.s32 $0x1B8E;
	s24 =	sld [smem:$0x3FFE];
	[sflag:s23] =	ssyncadd.s32 $0xFFFFFFFF  }
0xa5: {  	s26 =	simm.s32 $execute0_lowered;
	[smem:$0x3FD2] =	sst s25  }
0xa6: {  	s5 =	sshll.u32 s26, $0x1;
	_ =	strace $0x80000049;
	[dreg:$0x1] =	wrdreg $0xFFFFFFFF  }
0xa7: {  	s28 =	simm.s32 $_size_execute0_lowered;
	s3 =	sadd.s32 s3, s5;
	[dreg:$0x0] =	wrdreg $0x0  }
0xa8: {  	s5 =	sshll.u32 s28, $0x1;
	[dreg:$0x2] =	wrdreg s3  }
0xa9: {  	[dreg:$0x3] =	wrdreg s5  }
0xaa: {  	[dreg:$0x4] =	wrdreg $0xC0  }
0xab: {  	_ =	task [dreg:s7], $0x5FFFF  }
0xac: {  	[dreg:$0x1] =	wrdreg $0xFFFFFFFF  }
0xad: {  	[dreg:$0x0] =	wrdreg $0x60  }
0xae: {  	[dreg:$0x2] =	wrdreg s24  }
0xaf: {  	[dreg:$0x3] =	wrdreg s2  }
0xb0: {  	[dreg:$0x4] =	wrdreg $0x90000  }
0xb1: {  	[dreg:$0x5] =	wrdreg $0xDF000  }
0xb2: {  	[dreg:$0x6] =	wrdreg $0x9  }
0xb3: {  	_ =	task.clear_ibuf [dreg:s7], $0x7FFFF;
	_ =	strace $0x90000049  }
0xb4: {  	s29 =	simm.s32 $0x9;
	_ =	strace $0x8000004B  }
0xb5: {  	_ =	swait.ge [sflag:s29], $0x1  }
0xb6: {  	[sflag:s29] =	ssyncadd.s32 $0xFFFFFFFF  }
0xb7: {  	_ =	strace $0x9000004B  }
0xb8: {  	_ =	sfence  }
0xb9: {  	s30 =	sld [smem:$0x0];
	_ =	sdelay $0x2  }
0xba: {  	s31 =	sshll.u32 s1, $0xD;
	s1 =	sshrl.u32 s1, $0x2  }
0xbb: {  	s3 =	sand.u32 $0x4000, s31;
	s1 =	sadd.s32 s1, s30  }
0xbc: {  	s0 =	sor.u32 s3, s0;
	s1 =	sshll.u32 s1, $0x11  }
0xbd: {  	s0 =	sor.u32 s1, s0  }
0xbe: {  	s0 =	sadd.s32 $0x8F2B, s0  }
0xbf: {  	[sflag:s0] =	ssyncadd.remote.s32 $0x1  }
0xc0: {  	_ =	sfence.sel $0xFFFF  }
0xc1: {  	[dreg:$0x0] =	wrdreg $0xFFFFFFFF;
	(pc) =	sbr.abs _section_cstart, $3  }
0xc2: {  	[dreg:$0x1] =	wrdreg $0xFFFFFFFF  }
0xc3: {  	_ =	task.clear_ibuf [dreg:s7], $0x2FFFF;
	_ =	strace $0x9FFFFFFF  }
0xc4: {  	(tm) =	ssettm $0x7FFFFFFF  }
0xc5: {  	_ =	shalt  }
tec
execute0_lowered:
.L_overlay_start_1:
0x0: {  	(tag) =	ssettag $0x1  }
0x1: {  	s0 =	srdreg.scid  }
0x2: {  	s1 =	rddreg [dreg:$0x0];
	s13 =	stileid.u32  }
0x3: {  	s5 =	rddreg [dreg:$0x1];
	s4 =	simm.s32 $0x0;
	s16 =	simm.s32 $0x80  }
0x4: {  	s17 =	simm.s32 $0x5000;
	s18 =	simm.s32 $0x6000;
	s20 =	simm.s32 $0x7000  }
0x5: {  	s21 =	simm.s32 $0x180;
	s28 =	simm.s32 $0x4E00;
	s29 =	simm.s32 $0x4E80  }
0x6: {  	s30 =	simm.s32 $0x4F00;
	s31 =	simm.s32 $0x4F80;
	s7 =	smul.u32 $0x4E20, s13  }
0x7: {  	s0 =	sand.u32 $0x1, s0;
	s8 =	smul.u32 $0x4F00, s13;
	[smem:$0x7FF] =	sst s4  }
0x8: {  	s26 =	sshll.u32 s13, $0x6;
	s2 =	sshll.u32 s0, $0x4;
	s9 =	smul.u32 $0x4F000, s0  }
0x9: {  	s0 =	ssub.s32 $0x2, s0;
	s3 =	sor.u32 s13, s2;
	s2 =	rddreg [dreg:$0x2]  }
0xa: {  	s22 =	sshrl.u32 s7, $0x3;
	s24 =	sshrl.u32 s0, $0x1;
	s25 =	sshrl.u32 s8, $0x3  }
0xb: {  	s13 =	simm.s32 $0x5;
	s6 =	smul.u32 $0x500, s3;
	s3 =	rddreg [dreg:$0x3]  }
0xc: {  	_ =	strace $0x8000004A;
	s9 =	sadd.s32 s8, s9;
	s11 =	sadd.s32 s22, s1  }
0xd: {  	s0 =	ssub.s32 s0, s24;
	s12 =	sadd.s32 s8, s2;
	s5 =	sadd.s32 s5, s25  }
0xe: {  	s22 =	simm.s32 $0x8000;
	s24 =	simm.s32 $0x2;
	s25 =	simm.s32 $0x3  }
0xf: {  	s23 =	sshrl.u32 s9, $0x3;
	s14 =	sadd.s32 s7, s3;
	s7 =	sadd.s32 $0x1800, s11  }
0x10: {  	s11 =	smax.u32 s0, $0x1;
	s12 =	sshrl.u32 s12, $0x3;
	s10 =	sadd.s32 s6, s1  }
0x11: {  	s1 =	sadd.s32 s23, s1;
	s6 =	sor.u32 $0x1C05, s26;
	s14 =	sshrl.u32 s14, $0x3  }
0x12: {  	s23 =	simm.s32 $0x1;
	s26 =	simm.s32 $0x4;
	s8 =	sadd.s32 $0x1F200, s10  }
0x13: {  	s9 =	sadd.s32 $0x15200, s10;
	s10 =	sadd.s32 $0x29200, s1;
	s1 =	simm.s32 $0x0  }
.LBB2_1:
0x14: {  	[spmem:s12], [sflag:s6] =	dma.local [hbm:s5], $0x9E0  }
0x15: {  	_ =	swait.ge [sflag:s13], $0x9E0  }
0x16: {  	[sflag:s13] =	ssyncset.done $0x0  }
0x17: {  	[sflag:s13] =	ssyncadd.s32 $0xFFFFF620  }
0x18: {  	[spmem:s14], [sflag:s6] =	dma.local [hbm:s7], $0x9C4  }
0x19: {  	_ =	swait.ge [sflag:s13], $0x9C4  }
0x1a: {  	[sflag:s13] =	ssyncset.done $0x0  }
0x1b: {  	[sflag:s13] =	ssyncadd.s32 $0xFFFFF63C  }
0x1c: {  	[tilespmem:s4], [sflag:$0x5] =	stream.linear.gather [hbm4b:s8+s4], $0x2800, $0x38;
	[tilespmem:$0x12D20] =	vst v63  }
0x1d: {  	_ =	swait.ge [sflag:s13], $0x2800  }
0x1e: {  	[sflag:s13] =	ssyncset.done $0x0  }
0x1f: {  	s0 =	simm.s32 $0x2800;
	[sflag:s13] =	ssyncadd.s32 $0xFFFFD800  }
0x20: {  	[tilespmem:s0], [sflag:$0x5] =	stream.linear.gather [hbm4b:s9+s4], $0x2800, $0x38;
	[tilespmem:$0x12D20] =	vst v63  }
0x21: {  	_ =	swait.ge [sflag:s13], $0x2800  }
0x22: {  	[sflag:s13] =	ssyncset.done $0x0  }
0x23: {  	[sflag:s13] =	ssyncadd.s32 $0xFFFFD800  }
0x24: {  	[bflag:$0x0] =	sbarrier.arrive $0xFFFF  }
0x25: {  	[tilespmem:s17], [sflag:$0x1] =	stream.indirect.gather [spmem:s3], $0x20, s4, s16, $0xb8;
	[tilespmem:$0x12D20] =	vst v63  }
0x26: {  	_ = 	snop  }
0x27: {  	[tilespmem:s18], [sflag:$0x2] =	stream.indirect.gather [spmem:s3], $0x20, s16, s16, $0xb8;
	[tilespmem:$0x12D20] =	vst v63  }
0x28: {  	s15 =	simm.s32 $0x100  }
0x29: {  	[tilespmem:s20], [sflag:$0x3] =	stream.indirect.gather [spmem:s3], $0x20, s15, s16, $0xb8;
	[tilespmem:$0x12D20] =	vst v63  }
0x2a: {  	_ = 	snop  }
0x2b: {  	[tilespmem:s22], [sflag:$0x4] =	stream.indirect.gather [spmem:s3], $0x20, s21, s16, $0xb8;
	[tilespmem:$0x12D20] =	vst v63  }
0x2c: {  	_ =	swait.ge [sflag:s23], $0x1000  }
0x2d: {  	[sflag:s23] =	ssyncset.done $0x0  }
0x2e: {  	s19 =	simm.s32 $0x2800;
	[sflag:s23] =	ssyncadd.s32 $0xFFFFF000  }
0x2f: {  	[spmem:s2] =	stream.indirect.scatter.add.f32 [tilespmem:s17], [sflag:$0x5], $0x20, s19, s16, $0xb8;
	[tilespmem:$0x12D20] =	vst v63  }
0x30: {  	_ =	swait.ge [sflag:s13], $0x1000  }
0x31: {  	[sflag:s13] =	ssyncset.done $0x0  }
0x32: {  	s15 =	simm.s32 $0x200;
	[sflag:s13] =	ssyncadd.s32 $0xFFFFF000  }
0x33: {  	[tilespmem:s17], [sflag:$0x1] =	stream.indirect.gather [spmem:s3], $0x20, s15, s16, $0xb8;
	[tilespmem:$0x12D20] =	vst v63  }
0x34: {  	_ =	swait.ge [sflag:s24], $0x1000  }
0x35: {  	[sflag:s24] =	ssyncset.done $0x0  }
0x36: {  	s19 =	simm.s32 $0x2880;
	[sflag:s24] =	ssyncadd.s32 $0xFFFFF000  }
0x37: {  	[spmem:s2] =	stream.indirect.scatter.add.f32 [tilespmem:s18], [sflag:$0x5], $0x20, s19, s16, $0xb8;
	[tilespmem:$0x12D20] =	vst v63  }
0x38: {  	_ =	swait.ge [sflag:s13], $0x1000  }
0x39: {  	[sflag:s13] =	ssyncset.done $0x0  }
0x3a: {  	s15 =	simm.s32 $0x280;
	[sflag:s13] =	ssyncadd.s32 $0xFFFFF000  }
0x3b: {  	[tilespmem:s18], [sflag:$0x2] =	stream.indirect.gather [spmem:s3], $0x20, s15, s16, $0xb8;
	[tilespmem:$0x12D20] =	vst v63  }
0x3c: {  	_ =	swait.ge [sflag:s25], $0x1000  }
0x3d: {  	[sflag:s25] =	ssyncset.done $0x0  }
0x3e: {  	s19 =	simm.s32 $0x2900;
	[sflag:s25] =	ssyncadd.s32 $0xFFFFF000  }
0x3f: {  	[spmem:s2] =	stream.indirect.scatter.add.f32 [tilespmem:s20], [sflag:$0x5], $0x20, s19, s16, $0xb8;
	[tilespmem:$0x12D20] =	vst v63  }
0x40: {  	_ =	swait.ge [sflag:s13], $0x1000  }
0x41: {  	[sflag:s13] =	ssyncset.done $0x0  }
0x42: {  	s15 =	simm.s32 $0x300;
	[sflag:s13] =	ssyncadd.s32 $0xFFFFF000  }
0x43: {  	[tilespmem:s20], [sflag:$0x3] =	stream.indirect.gather [spmem:s3], $0x20, s15, s16, $0xb8;
	[tilespmem:$0x12D20] =	vst v63  }
0x44: {  	_ =	swait.ge [sflag:s26], $0x1000  }
0x45: {  	[sflag:s26] =	ssyncset.done $0x0  }
0x46: {  	s19 =	simm.s32 $0x2980;
	[sflag:s26] =	ssyncadd.s32 $0xFFFFF000  }
0x47: {  	[spmem:s2] =	stream.indirect.scatter.add.f32 [tilespmem:s22], [sflag:$0x5], $0x20, s19, s16, $0xb8;
	[tilespmem:$0x12D20] =	vst v63  }
0x48: {  	_ =	swait.ge [sflag:s13], $0x1000  }
0x49: {  	[sflag:s13] =	ssyncset.done $0x0  }
0x4a: {  	s0 =	simm.s32 $0x800;
	s15 =	simm.s32 $0x380;
	[sflag:s13] =	ssyncadd.s32 $0xFFFFF000  }
.LBB2_2:
0x4b: {  	[tilespmem:s22], [sflag:$0x4] =	stream.indirect.gather [spmem:s3], $0x20, s15, s16, $0xb8;
	[tilespmem:$0x12D20] =	vst v63  }
0x4c: {  	s15 =	smov.u32 s0  }
0x4d: {  	p0 =	sne.s32 s0, $0x9000;
	s0 =	sadd.s32 $0x800, s0;
	_ =	swait.ge [sflag:s23], $0x1000  }
0x4e: {  	s15 =	sshra.s32 s15, $0x2;
	[sflag:s23] =	ssyncset.done $0x0  }
0x4f: {  	s19 =	sadd.s32 $0x2800, s15;
	[sflag:s23] =	ssyncadd.s32 $0xFFFFF000  }
0x50: {  	[spmem:s2] =	stream.indirect.scatter.add.f32 [tilespmem:s17], [sflag:$0x5], $0x20, s19, s16, $0xb8;
	[tilespmem:$0x12D20] =	vst v63  }
0x51: {  	_ =	swait.ge [sflag:s13], $0x1000  }
0x52: {  	[sflag:s13] =	ssyncset.done $0x0  }
0x53: {  	s19 =	sadd.s32 $0x200, s15;
	[sflag:s13] =	ssyncadd.s32 $0xFFFFF000  }
0x54: {  	[tilespmem:s17], [sflag:$0x1] =	stream.indirect.gather [spmem:s3], $0x20, s19, s16, $0xb8;
	[tilespmem:$0x12D20] =	vst v63  }
0x55: {  	_ =	swait.ge [sflag:s24], $0x1000  }
0x56: {  	[sflag:s24] =	ssyncset.done $0x0  }
0x57: {  	s19 =	sadd.s32 $0x2880, s15;
	[sflag:s24] =	ssyncadd.s32 $0xFFFFF000  }
0x58: {  	[spmem:s2] =	stream.indirect.scatter.add.f32 [tilespmem:s18], [sflag:$0x5], $0x20, s19, s16, $0xb8;
	[tilespmem:$0x12D20] =	vst v63  }
0x59: {  	_ =	swait.ge [sflag:s13], $0x1000  }
0x5a: {  	[sflag:s13] =	ssyncset.done $0x0  }
0x5b: {  	s19 =	sadd.s32 $0x280, s15;
	[sflag:s13] =	ssyncadd.s32 $0xFFFFF000  }
0x5c: {  	[tilespmem:s18], [sflag:$0x2] =	stream.indirect.gather [spmem:s3], $0x20, s19, s16, $0xb8;
	[tilespmem:$0x12D20] =	vst v63  }
0x5d: {  	_ =	swait.ge [sflag:s25], $0x1000  }
0x5e: {  	[sflag:s25] =	ssyncset.done $0x0  }
0x5f: {  	s19 =	sadd.s32 $0x2900, s15;
	[sflag:s25] =	ssyncadd.s32 $0xFFFFF000  }
0x60: {  	[spmem:s2] =	stream.indirect.scatter.add.f32 [tilespmem:s20], [sflag:$0x5], $0x20, s19, s16, $0xb8;
	[tilespmem:$0x12D20] =	vst v63  }
0x61: {  	_ =	swait.ge [sflag:s13], $0x1000  }
0x62: {  	[sflag:s13] =	ssyncset.done $0x0  }
0x63: {  	s19 =	sadd.s32 $0x300, s15;
	[sflag:s13] =	ssyncadd.s32 $0xFFFFF000  }
0x64: {  	[tilespmem:s20], [sflag:$0x3] =	stream.indirect.gather [spmem:s3], $0x20, s19, s16, $0xb8;
	[tilespmem:$0x12D20] =	vst v63  }
0x65: {  	_ =	swait.ge [sflag:s26], $0x1000  }
0x66: {  	[sflag:s26] =	ssyncset.done $0x0  }
.Ltmp0:
0x67: {  	s19 =	sadd.s32 $0x2980, s15;
	[sflag:s26] =	ssyncadd.s32 $0xFFFFF000;
	(pc) =	sbr.rel @p0 .LBB2_2-.Ltmp0, $4  }
0x68: {  	[spmem:s2] =	stream.indirect.scatter.add.f32 [tilespmem:s22], [sflag:$0x5], $0x20, s19, s16, $0xb8;
	[tilespmem:$0x12D20] =	vst v63  }
0x69: {  	_ =	swait.ge [sflag:s13], $0x1000  }
0x6a: {  	[sflag:s13] =	ssyncset.done $0x0  }
0x6b: {  	s15 =	sadd.s32 $0x380, s15;
	[sflag:s13] =	ssyncadd.s32 $0xFFFFF000  }
0x6c: {  	[tilespmem:s22], [sflag:$0x4] =	stream.indirect.gather [spmem:s3], $0x20, s15, s16, $0xb8;
	[tilespmem:$0x12D20] =	vst v63  }
0x6d: {  	_ =	swait.ge [sflag:s23], $0x1000  }
0x6e: {  	[sflag:s23] =	ssyncset.done $0x0  }
0x6f: {  	[sflag:s23] =	ssyncadd.s32 $0xFFFFF000  }
0x70: {  	[spmem:s2] =	stream.indirect.scatter.add.f32 [tilespmem:s17], [sflag:$0x5], $0x20, s28, s16, $0xb8;
	[tilespmem:$0x12D20] =	vst v63  }
0x71: {  	_ =	swait.ge [sflag:s13], $0x1000  }
0x72: {  	[sflag:s13] =	ssyncset.done $0x0  }
0x73: {  	[sflag:s13] =	ssyncadd.s32 $0xFFFFF000  }
0x74: {  	_ =	swait.ge [sflag:s24], $0x1000  }
0x75: {  	[sflag:s24] =	ssyncset.done $0x0  }
0x76: {  	[sflag:s24] =	ssyncadd.s32 $0xFFFFF000  }
0x77: {  	[spmem:s2] =	stream.indirect.scatter.add.f32 [tilespmem:s18], [sflag:$0x5], $0x20, s29, s16, $0xb8;
	[tilespmem:$0x12D20] =	vst v63  }
0x78: {  	_ =	swait.ge [sflag:s13], $0x1000  }
0x79: {  	[sflag:s13] =	ssyncset.done $0x0  }
0x7a: {  	[sflag:s13] =	ssyncadd.s32 $0xFFFFF000  }
0x7b: {  	_ =	swait.ge [sflag:s25], $0x1000  }
0x7c: {  	[sflag:s25] =	ssyncset.done $0x0  }
0x7d: {  	[sflag:s25] =	ssyncadd.s32 $0xFFFFF000  }
0x7e: {  	[spmem:s2] =	stream.indirect.scatter.add.f32 [tilespmem:s20], [sflag:$0x5], $0x20, s30, s16, $0xb8;
	[tilespmem:$0x12D20] =	vst v63  }
0x7f: {  	_ =	swait.ge [sflag:s13], $0x1000  }
0x80: {  	[sflag:s13] =	ssyncset.done $0x0  }
0x81: {  	[sflag:s13] =	ssyncadd.s32 $0xFFFFF000  }
0x82: {  	_ =	swait.ge [sflag:s26], $0x1000  }
0x83: {  	[sflag:s26] =	ssyncset.done $0x0  }
0x84: {  	[sflag:s26] =	ssyncadd.s32 $0xFFFFF000  }
0x85: {  	[spmem:s2] =	stream.indirect.scatter.add.f32 [tilespmem:s22], [sflag:$0x5], $0x20, s31, s16, $0xb8;
	[tilespmem:$0x12D20] =	vst v63  }
0x86: {  	_ =	swait.ge [sflag:s13], $0x1000  }
0x87: {  	s1 =	sadd.s32 $0x1, s1;
	[sflag:s13] =	ssyncset.done $0x0  }
0x88: {  	p0 =	sne.s32 s1, s11;
	[sflag:s13] =	ssyncadd.s32 $0xFFFFF000  }
.Ltmp1:
0x89: {  	[bflag:$0x0] =	sbarrier.arrive $0xFFFF;
	(pc) =	sbr.rel @p0 .LBB2_1-.Ltmp1, $4  }
0x8a: {  	[hbm:s10], [sflag:s6] =	dma.local [spmem:s12], $0x9E0  }
0x8b: {  	_ =	swait.ge [sflag:s13], $0x9E0  }
0x8c: {  	[sflag:s13] =	ssyncset.done $0x0  }
0x8d: {  	[sflag:s13] =	ssyncadd.s32 $0xFFFFF620  }
0x8e: {  	_ =	sfence.sel $0x180000  }
0x8f: {  	[bflag:$0x0] =	sbarrier.arrive $0xFFFF  }
0x90: {  	_ =	strace $0x9000004A  }
0x91: {  	s0 =	stileid.u32;
	[bflag:$0x2] =	sbarrier.arrive $0xFFFF  }
0x92: {  	p0 =	sne.s32 s0, $0x0;
	s0 =	rddreg [dreg:$0x4]  }
0x93: {  	s0 =	sadd.s32 @!p0 $0x100000, s0  }
0x94: {  	[sflag:s0] =	ssyncadd.tile.s32 @!p0 $0x1;
	_ =	shalt  }
.Lfunc_end2:
_tile_overlayer_lowered:
.L_overlay_start_2:
0x95: {  	(tag) =	ssettag $0x2  }
0x96: {  	s0 =	rddreg [dreg:$0x0];
	s2 =	stileid.u32  }
0x97: {  	s1 =	rddreg [dreg:$0x1];
	p0 =	sne.s32 s2, $0x0  }
0x98: {  	s3 =	rddreg [dreg:$0x2];
	[bflag:$0x3] =	sbarrier.arrive $0xFFFF;
	s2 =	simm.s32 @!p0 $0x1C05  }
0x99: {  	[timem:s3], [sflag:s2] =	dma.local @!p0 [hbm:s0], s1  }
0x9a: {  	s0 =	simm.s32 @!p0 $0x5  }
0x9b: {  	_ =	swait.ge @!p0 [sflag:s0], s1  }
0x9c: {  	s1 =	ssub.s32 @!p0 $0x0, s1;
	[sflag:s0] =	ssyncset.done @!p0 $0x0  }
0x9d: {  	[sflag:s0] =	ssyncadd.s32 @!p0 s1  }
0x9e: {  	[bflag:$0x3] =	sbarrier.arrive $0xFFFF  }
0x9f: {  	_ =	shalt  }

// kernel: kernel.7.cloned.1.call-start
scs
__scs_entry_jumppad:
0x0: {  	(pc) =	sbr.rel $0x88, $3  }
0x1: {  	(tag) =	ssettag $0x0;
	lr =	simm.s32 $0x1  }
0x2: {  	[smem:$0x3F99] =	sst lr;
	_ =	strace $0xD0000000  }
0x3: {  	_ = 	snop  }
0x4: {  	_ = 	snop  }
0x5: {  	_ = 	snop  }
0x6: {  	_ = 	snop  }
0x7: {  	_ = 	snop  }
__scs_overlays_trampoline_lowered:
0x8: {  	[smem:$0x3FA8] =	sst s0  }
0x9: {  	[smem:$0x3FA9] =	sst s1  }
0xa: {  	[smem:$0x3FAA] =	sst s2  }
0xb: {  	[smem:$0x3FAB] =	sst s3  }
0xc: {  	[smem:$0x3FAC] =	sst s4  }
0xd: {  	[smem:$0x3FAD] =	sst s5  }
0xe: {  	[smem:$0x3FAE] =	sst s6  }
0xf: {  	[smem:$0x3FAF] =	sst s7  }
0x10: {  	[smem:$0x3FB0] =	sst s8  }
0x11: {  	[smem:$0x3FB1] =	sst s9;
	s0 =	simm.s32 @!p0 $0x0  }
0x12: {  	s1 =	sld [smem:$0x3F97];
	s0 =	simm.s32 @p0 $0x1  }
0x13: {  	[smem:$0x3FB2] =	sst s0;
	s0 =	simm.s32 @!p1 $0x0  }
0x14: {  	s2 =	sld [smem:$0x3F96];
	s0 =	simm.s32 @p1 $0x1  }
0x15: {  	[smem:$0x3FB3] =	sst s0;
	s0 =	simm.s32 @!p2 $0x0  }
0x16: {  	s3 =	sld [smem:$0x3FDB];
	s0 =	simm.s32 @p2 $0x1  }
0x17: {  	s4 =	simm.s32 $0x1BF5;
	[smem:$0x3FB5] =	sst s0  }
0x18: {  	s0 =	sld [smem:$0x3F98];
	_ =	swait.ge [sflag:s4], $0x0  }
0x19: {  	s7 =	sld [smem:$0x3F99]  }
0x1a: {  	s8 =	sadd.s32 $0xFFFFE003, lr  }
0x1b: {  	s9 =	sadd.s32 $0xFFFFFEF7, lr;
	s5 =	simm.s32 $0xFFFFFFFF;
	p2 =	slt.u32 s8, $0xFFFFF086  }
0x1c: {  	p1 =	slt.u32 s9, $0xF7A;
	s5 =	simm.s32 @!p2 $0x0  }
0x1d: {  	s5 =	simm.s32 @p1 $0x1;
	p0 =	seq.s32 s7, s2  }
0x1e: {  	s7 =	smul.u32 @!p0 $0xF7A, s2;
	p2 =	seq.s32 @!p0 s5, $0x0  }
0x1f: {  	s9 =	smul.u32 $0xF7A, s1;
	s8 =	simm.s32 @!p0 $0x1BF5;
	p2 =	por !p2, p0  }
0x20: {  	[sflag:s8] =	ssyncset.s32 @!p0 $0xFFFFF086;
	s6 =	sadd.s32 @!p0 s3, s7;
	s7 =	simm.s32 @!p0 $0x108  }
0x21: {  	s3 =	sadd.s32 s3, s9;
	s6 =	sadd.s32 @!p0 $0x88, s6;
	s7 =	simm.s32 @p2 $0x1082  }
0x22: {  	[simem:s7], [sflag:s8] =	dma.local @!p0 [hbm:s6], $0xF7A  }
0x23: {  	s9 =	sor.u32 $0xD0000000, s2;
	s6 =	simm.s32 $0x108;
	_ =	swait.ge @!p0 [sflag:s8], $0x0  }
0x24: {  	s3 =	sadd.s32 $0x88, s3;
	s6 =	simm.s32 @!p1 $0x1082;
	[sflag:s4] =	ssyncset.s32 $0xFFFFF086  }
0x25: {  	[simem:s6], [sflag:s4] =	dma.local [hbm:s3], $0xF7A  }
0x26: {  	[smem:$0x3F99] =	sst s1;
	(tag) =	ssettag s2;
	_ =	strace s9  }
0x27: {  	s1 =	sld [smem:$0x3FA9]  }
0x28: {  	s2 =	sld [smem:$0x3FAA]  }
0x29: {  	s4 =	sld [smem:$0x3FAC]  }
0x2a: {  	p0 =	seq.s32 s5, $0x0;
	s5 =	sld [smem:$0x3FAD]  }
0x2b: {  	s6 =	sld [smem:$0x3FAE]  }
0x2c: {  	s7 =	sld [smem:$0x3FAF]  }
0x2d: {  	s3 =	simm.s32 $0x108;
	s8 =	sld [smem:$0x3FB0]  }
0x2e: {  	s3 =	simm.s32 @!p0 $0x1082;
	s9 =	sld [smem:$0x3FB1]  }
0x2f: {  	lr =	sadd.s32 s0, s3;
	s0 =	sld [smem:$0x3FA8]  }
0x30: {  	s3 =	sld [smem:$0x3FAB]  }
0x31: {  	[smem:$0x3FB4] =	sst s10  }
0x32: {  	s10 =	sld [smem:$0x3FB2];
	_ =	sdelay $0x3  }
0x33: {  	p0 =	seq.s32 s10, $0x1;
	s10 =	sld [smem:$0x3FB4];
	_ =	sdelay $0x3  }
0x34: {  	[smem:$0x3FB4] =	sst s10  }
0x35: {  	s10 =	sld [smem:$0x3FB3];
	_ =	sdelay $0x3  }
0x36: {  	p1 =	seq.s32 s10, $0x1;
	s10 =	sld [smem:$0x3FB4];
	_ =	sdelay $0x3  }
0x37: {  	[smem:$0x3FB4] =	sst s10  }
0x38: {  	s10 =	sld [smem:$0x3FB5]  }
0x39: {  	_ = 	snop;
	(pc) =	sbr.ind lr, $3  }
0x3a: {  	_ = 	snop  }
0x3b: {  	_ = 	snop  }
0x3c: {  	p2 =	seq.s32 s10, $0x1;
	s10 =	sld [smem:$0x3FB4]  }
0x3d: {  	_ =	shalt  }
0x3e: {  	_ =	shalt  }
0x3f: {  	_ =	shalt  }
0x40: {  	_ =	shalt  }
0x41: {  	_ =	shalt  }
0x42: {  	_ =	shalt  }
0x43: {  	_ =	shalt  }
0x44: {  	_ =	shalt  }
0x45: {  	_ =	shalt  }
0x46: {  	_ =	shalt  }
0x47: {  	_ =	shalt  }
0x48: {  	_ =	shalt  }
0x49: {  	_ =	shalt  }
0x4a: {  	_ =	shalt  }
0x4b: {  	_ =	shalt  }
0x4c: {  	_ =	shalt  }
0x4d: {  	_ =	shalt  }
0x4e: {  	_ =	shalt  }
0x4f: {  	_ =	shalt  }
0x50: {  	_ =	shalt  }
0x51: {  	_ =	shalt  }
0x52: {  	_ =	shalt  }
0x53: {  	_ =	shalt  }
0x54: {  	_ =	shalt  }
0x55: {  	_ =	shalt  }
0x56: {  	_ =	shalt  }
0x57: {  	_ =	shalt  }
0x58: {  	_ =	shalt  }
0x59: {  	_ =	shalt  }
0x5a: {  	_ =	shalt  }
0x5b: {  	_ =	shalt  }
0x5c: {  	_ =	shalt  }
0x5d: {  	_ =	shalt  }
0x5e: {  	_ =	shalt  }
0x5f: {  	_ =	shalt  }
0x60: {  	_ =	shalt  }
0x61: {  	_ =	shalt  }
0x62: {  	_ =	shalt  }
0x63: {  	_ =	shalt  }
0x64: {  	_ =	shalt  }
0x65: {  	_ =	shalt  }
0x66: {  	_ =	shalt  }
0x67: {  	_ =	shalt  }
0x68: {  	_ =	shalt  }
0x69: {  	_ =	shalt  }
0x6a: {  	_ =	shalt  }
0x6b: {  	_ =	shalt  }
0x6c: {  	_ =	shalt  }
0x6d: {  	_ =	shalt  }
0x6e: {  	_ =	shalt  }
0x6f: {  	_ =	shalt  }
0x70: {  	_ =	shalt  }
0x71: {  	_ =	shalt  }
0x72: {  	_ =	shalt  }
0x73: {  	_ =	shalt  }
0x74: {  	_ =	shalt  }
0x75: {  	_ =	shalt  }
0x76: {  	_ =	shalt  }
0x77: {  	_ =	shalt  }
0x78: {  	_ =	shalt  }
0x79: {  	_ =	shalt  }
0x7a: {  	_ =	shalt  }
0x7b: {  	_ =	shalt  }
0x7c: {  	_ =	shalt  }
0x7d: {  	_ =	shalt  }
0x7e: {  	_ =	shalt  }
0x7f: {  	_ =	shalt  }
0x80: {  	_ =	shalt  }
0x81: {  	_ =	shalt  }
0x82: {  	_ =	shalt  }
0x83: {  	_ =	shalt  }
0x84: {  	_ =	shalt  }
0x85: {  	_ =	shalt  }
0x86: {  	_ =	shalt  }
0x87: {  	_ =	shalt  }
.Lfunc_end0:
.L_simem_size_0:
called_computation_lowered:
.L_overlay_start_0:
0x88: {  	s2 =	sld [smem:$0x3FD9]  }
0x89: {  	s3 =	sld [smem:$0x3FFE];
	_ =	sdelay $0x1  }
0x8a: {  	s1 =	srdreg.scid  }
0x8b: {  	s0 =	sand.u32 $0x1, s1  }
0x8c: {  	s17 =	sshll.u32 s0, $0xA;
	s2 =	sadd.s32 s3, s2  }
0x8d: {  	s2 =	sadd.s32 s2, s17  }
0x8e: {  	[smem:$0x3FC0] =	sst s2  }
0x8f: {  	_ = 	snop  }
0x90: {  	s2 =	sld [smem:$0x3FD0];
	(tm) =	ssettm $0x1  }
0x91: {  	s18 =	sld [smem:$0x3FFB];
	_ =	sdelay $0x3  }
0x92: {  	_ =	strace s18  }
0x93: {  	s3 =	sld [smem:$0x3FFC];
	_ =	sdelay $0x3  }
0x94: {  	_ =	strace s3  }
0x95: {  	s3 =	sld [smem:$0x3FFD];
	_ =	sdelay $0x3  }
0x96: {  	_ =	strace s3  }
0x97: {  	_ =	strace $0x8FFFFFFF  }
0x98: {  	s19 =	sld [smem:$0x3FDB];
	_ =	sdelay $0x1  }
0x99: {  	s4 =	simm.s32 $_scs_section_size  }
0x9a: {  	s5 =	simm.s32 $_size__tile_overlayer_lowered;
	s6 =	simm.s32 $_tile_overlayer_lowered  }
0x9b: {  	s22 =	simm.s32 $0x1BFF;
	s21 =	sshll.u32 s6, $0x1;
	s3 =	sadd.s32 s4, s19  }
0x9c: {  	s7 =	simm.s32 $0x0;
	s20 =	sshll.u32 s5, $0x1;
	s5 =	sadd.s32 s21, s3  }
0x9d: {  	[timem:s7], [sflag:s22] =	dma.local [hbm:s5], s20  }
0x9e: {  	_ =	swait.ge [sflag:s22], s20  }
0x9f: {  	s4 =	ssub.s32 $0x0, s20;
	[sflag:s22] =	ssyncset.done $0x0  }
0xa0: {  	[sflag:s22] =	ssyncadd.s32 s4;
	_ =	sdelay $0x1  }
0xa1: {  	s23 =	simm.s32 $0x1B8B  }
0xa2: {  	_ =	swait.ge [sflag:s23], $0x1  }
0xa3: {  	[sflag:s23] =	ssyncset.done $0x0  }
0xa4: {  	s25 =	simm.s32 $0x1B8E;
	s24 =	sld [smem:$0x3FFE];
	[sflag:s23] =	ssyncadd.s32 $0xFFFFFFFF  }
0xa5: {  	s26 =	simm.s32 $execute0_lowered;
	[smem:$0x3FD2] =	sst s25  }
0xa6: {  	s5 =	sshll.u32 s26, $0x1;
	_ =	strace $0x80000046;
	[dreg:$0x1] =	wrdreg $0xFFFFFFFF  }
0xa7: {  	s28 =	simm.s32 $_size_execute0_lowered;
	s3 =	sadd.s32 s3, s5;
	[dreg:$0x0] =	wrdreg $0x0  }
0xa8: {  	s5 =	sshll.u32 s28, $0x1;
	[dreg:$0x2] =	wrdreg s3  }
0xa9: {  	[dreg:$0x3] =	wrdreg s5  }
0xaa: {  	[dreg:$0x4] =	wrdreg $0xC0  }
0xab: {  	_ =	task [dreg:s7], $0x5FFFF  }
0xac: {  	[dreg:$0x1] =	wrdreg $0xFFFFFFFF  }
0xad: {  	[dreg:$0x0] =	wrdreg $0x60  }
0xae: {  	[dreg:$0x2] =	wrdreg s24  }
0xaf: {  	[dreg:$0x3] =	wrdreg s2  }
0xb0: {  	[dreg:$0x4] =	wrdreg $0x122F80  }
0xb1: {  	[dreg:$0x5] =	wrdreg $0x1C0F80  }
0xb2: {  	[dreg:$0x6] =	wrdreg $0x9  }
0xb3: {  	_ =	task.clear_ibuf [dreg:s7], $0x7FFFF;
	_ =	strace $0x90000046  }
0xb4: {  	s29 =	simm.s32 $0x9;
	_ =	strace $0x80000048  }
0xb5: {  	_ =	swait.ge [sflag:s29], $0x1  }
0xb6: {  	[sflag:s29] =	ssyncadd.s32 $0xFFFFFFFF  }
0xb7: {  	_ =	strace $0x90000048  }
0xb8: {  	_ =	sfence  }
0xb9: {  	s30 =	sld [smem:$0x0];
	_ =	sdelay $0x2  }
0xba: {  	s31 =	sshll.u32 s1, $0xD;
	s1 =	sshrl.u32 s1, $0x2  }
0xbb: {  	s3 =	sand.u32 $0x4000, s31;
	s1 =	sadd.s32 s1, s30  }
0xbc: {  	s0 =	sor.u32 s3, s0;
	s1 =	sshll.u32 s1, $0x11  }
0xbd: {  	s0 =	sor.u32 s1, s0  }
0xbe: {  	s0 =	sadd.s32 $0x8F2B, s0  }
0xbf: {  	[sflag:s0] =	ssyncadd.remote.s32 $0x1  }
0xc0: {  	_ =	sfence.sel $0xFFFF  }
0xc1: {  	[dreg:$0x0] =	wrdreg $0xFFFFFFFF;
	(pc) =	sbr.abs _section_cstart, $3  }
0xc2: {  	[dreg:$0x1] =	wrdreg $0xFFFFFFFF  }
0xc3: {  	_ =	task.clear_ibuf [dreg:s7], $0x2FFFF;
	_ =	strace $0x9FFFFFFF  }
0xc4: {  	(tm) =	ssettm $0x7FFFFFFF  }
0xc5: {  	_ =	shalt  }
tec
execute0_lowered:
.L_overlay_start_1:
0x0: {  	(tag) =	ssettag $0x1  }
0x1: {  	s0 =	rddreg [dreg:$0x0]  }
0x2: {  	s1 =	rddreg [dreg:$0x1]  }
0x3: {  	s2 =	rddreg [dreg:$0x2]  }
0x4: {  	s3 =	rddreg [dreg:$0x3]  }
0x5: {  	s15 =	stileid.u32;
	s6 =	simm.s32 $0x0;
	s5 =	srdreg.scid  }
0x6: {  	s16 =	simm.s32 $0x12080;
	s18 =	simm.s32 $0x80;
	s19 =	simm.s32 $0xA000  }
0x7: {  	s20 =	simm.s32 $0xC000;
	s22 =	simm.s32 $0xE000;
	s28 =	simm.s32 $0x2  }
0x8: {  	s29 =	simm.s32 $0x3;
	s30 =	simm.s32 $0x4;
	s4 =	smul.u32 $0xA00, s15  }
0x9: {  	s31 =	simm.s32 $0x9E00;
	s17 =	simm.s32 $0x0;
	s23 =	smul.u32 $0x9E00, s15  }
0xa: {  	[smem:$0x7FF] =	sst s6;
	s13 =	sand.u32 $0x1, s5;
	s10 =	smul.u32 $0x278, s15  }
0xb: {  	s5 =	sadd.s32 $0x1800, s0;
	s26 =	sshll.u32 s15, $0x6;
	s15 =	simm.s32 $0x5  }
0xc: {  	_ =	strace $0x80000047;
	s7 =	ssub.s32 $0x2, s13;
	p0 =	sne.s32 s13, $0x0  }
0xd: {  	s13 =	sor.u32 $0x1C05, s26;
	s26 =	simm.s32 $0x12000;
	s4 =	sadd.s32 s4, s0  }
0xe: {  	s8 =	sshrl.u32 s23, $0x3;
	s9 =	sshrl.u32 s7, $0x1;
	s14 =	sadd.s32 s23, s2  }
0xf: {  	s25 =	sshrl.u32 s10, $0x3;
	s0 =	sadd.s32 s8, s0;
	s12 =	ssub.s32 s7, s9  }
.Ltmp0:
0x10: {  	s7 =	sadd.s32 s10, s3;
	s8 =	sadd.s32 $0x1F200, s4;
	(pc) =	sbr.rel .LBB2_1-.Ltmp0, $4  }
0x11: {  	s9 =	sadd.s32 $0x15200, s4;
	s11 =	sadd.s32 s1, s25;
	s14 =	sshrl.u32 s14, $0x3  }
0x12: {  	s25 =	simm.s32 $0x1;
	s1 =	simm.s32 $0x9F00;
	s4 =	simm.s32 $0x9F80  }
0x13: {  	s24 =	sadd.s32 $0x29200, s0;
	s10 =	sadd.s32 $0x3CE00, s0;
	s12 =	smax.u32 s12, $0x1  }
0x14: {  	v0 =	vimm.f32 $0.0e+00;
	v1 =	vimm.f32 $1.000000000e+00;
	s0 =	simm.s32 $0x9E80;
	[dreg:$0x5] =	wrdreg s24;
	s24 =	simm.s32 $0x10000  }
.LBB2_7:
0x15: {  	[bflag:$0x0] =	sbarrier.arrive $0xFFFF  }
0x16: {  	[bflag:$0x0] =	sbarrier.arrive $0xFFFF  }
.LBB2_5:
0x17: {  	s17 =	sadd.s32 $0x1, s17  }
0x18: {  	p1 =	sne.s32 s17, s12  }
.Ltmp1:
0x19: {  	_ = 	snop;
	(pc) =	sbr.rel @!p1 .LBB2_6-.Ltmp1, $1  }
0x1a: {  	_ =	sdelay $0x3  }
.LBB2_1:
.Ltmp2:
0x1b: {  	(pc) =	sbr.rel @p0 .LBB2_7-.Ltmp2, $1  }
0x1c: {  	_ =	sdelay $0x3  }
0x1d: {  	s6 =	rddreg [dreg:$0x5]  }
0x1e: {  	[spmem:s14], [sflag:s13] =	dma.local [hbm:s6], $0x13C0  }
0x1f: {  	_ =	swait.ge [sflag:s15], $0x13C0  }
0x20: {  	[sflag:s15] =	ssyncset.done $0x0  }
0x21: {  	[sflag:s15] =	ssyncadd.s32 $0xFFFFEC40  }
0x22: {  	[tilespmem:$0x12080] =	vst v0  }
0x23: {  	[tilespmem:$0x12090] =	vst v0  }
0x24: {  	[tilespmem:$0x120A0] =	vst v0  }
0x25: {  	[tilespmem:$0x120B0] =	vst v0  }
0x26: {  	[tilespmem:$0x120C0] =	vst v0  }
0x27: {  	[tilespmem:$0x120D0] =	vst v0  }
0x28: {  	[tilespmem:$0x120E0] =	vst v0  }
0x29: {  	[tilespmem:$0x120F0] =	vst v0  }
0x2a: {  	[tilespmem:$0x12100] =	vst v0  }
0x2b: {  	[tilespmem:$0x12110] =	vst v0  }
0x2c: {  	[tilespmem:$0x12120] =	vst v0  }
0x2d: {  	[tilespmem:$0x12130] =	vst v0  }
0x2e: {  	[tilespmem:$0x12140] =	vst v0  }
0x2f: {  	[tilespmem:$0x12150] =	vst v0  }
0x30: {  	[tilespmem:$0x12160] =	vst v0  }
0x31: {  	[tilespmem:$0x12170] =	vst v0  }
0x32: {  	[tilespmem:$0x12180] =	vst v0  }
0x33: {  	[tilespmem:$0x12190] =	vst v0  }
0x34: {  	[tilespmem:$0x121A0] =	vst v0  }
0x35: {  	[tilespmem:$0x121B0] =	vst v0  }
0x36: {  	[tilespmem:$0x121C0] =	vst v0  }
0x37: {  	[tilespmem:$0x121D0] =	vst v0  }
0x38: {  	[tilespmem:$0x121E0] =	vst v0  }
0x39: {  	[tilespmem:$0x121F0] =	vst v0  }
0x3a: {  	[tilespmem:$0x12200] =	vst v0  }
0x3b: {  	[tilespmem:$0x12210] =	vst v0  }
0x3c: {  	[tilespmem:$0x12220] =	vst v0  }
0x3d: {  	[tilespmem:$0x12230] =	vst v0  }
0x3e: {  	[tilespmem:$0x12240] =	vst v0  }
0x3f: {  	[tilespmem:$0x12250] =	vst v0  }
0x40: {  	[tilespmem:$0x12260] =	vst v0  }
0x41: {  	[tilespmem:$0x12270] =	vst v0  }
0x42: {  	[tilespmem:$0x12280] =	vst v0  }
0x43: {  	[tilespmem:$0x12290] =	vst v0  }
0x44: {  	[tilespmem:$0x122A0] =	vst v0  }
0x45: {  	[tilespmem:$0x122B0] =	vst v0  }
0x46: {  	[tilespmem:$0x122C0] =	vst v0  }
0x47: {  	[tilespmem:$0x122D0] =	vst v0  }
0x48: {  	[tilespmem:$0x122E0] =	vst v0  }
0x49: {  	[tilespmem:$0x122E8] =	vst v0  }
0x4a: {  	[spmem:s7] =	stream.linear.scatter [tilespmem:s16], [sflag:$0x5], $0x278, $0x38;
	[tilespmem:$0x1C370] =	vst v63  }
0x4b: {  	_ =	swait.ge [sflag:s15], $0x278  }
0x4c: {  	[sflag:s15] =	ssyncset.done $0x0  }
0x4d: {  	s21 =	simm.s32 $0x0;
	[sflag:s15] =	ssyncadd.s32 $0xFFFFFD88  }
0x4e: {  	[tilespmem:s21], [sflag:$0x5] =	stream.linear.gather [hbm4b:s8+s21], $0x5000, $0x38;
	[tilespmem:$0x1C370] =	vst v63  }
0x4f: {  	_ =	swait.ge [sflag:s15], $0x5000  }
0x50: {  	[sflag:s15] =	ssyncset.done $0x0  }
0x51: {  	s23 =	simm.s32 $0x5000;
	[sflag:s15] =	ssyncadd.s32 $0xFFFFB000  }
0x52: {  	[tilespmem:s23], [sflag:$0x5] =	stream.linear.gather [hbm4b:s9+s21], $0x5000, $0x38;
	[tilespmem:$0x1C370] =	vst v63  }
0x53: {  	_ =	swait.ge [sflag:s15], $0x5000  }
0x54: {  	[sflag:s15] =	ssyncset.done $0x0  }
0x55: {  	[sflag:s15] =	ssyncadd.s32 $0xFFFFB000  }
0x56: {  	[tilespmem:$0x12000] =	vst v1  }
0x57: {  	[tilespmem:$0x12010] =	vst v1  }
0x58: {  	[tilespmem:$0x12020] =	vst v1  }
0x59: {  	[tilespmem:$0x12030] =	vst v1  }
0x5a: {  	[tilespmem:$0x12040] =	vst v1  }
0x5b: {  	[tilespmem:$0x12050] =	vst v1  }
0x5c: {  	[tilespmem:$0x12060] =	vst v1  }
0x5d: {  	[tilespmem:$0x12070] =	vst v1  }
0x5e: {  	[bflag:$0x0] =	sbarrier.arrive $0xFFFF  }
0x5f: {  	[tilespmem:s19], [sflag:$0x1] =	stream.indirect.gather [hbm4b:s5+s18], $0x40, s21, s18, $0xb8;
	[tilespmem:$0x1C370] =	vst v63  }
0x60: {  	_ = 	snop  }
0x61: {  	[tilespmem:s20], [sflag:$0x2] =	stream.indirect.gather [hbm4b:s5+s18], $0x40, s18, s18, $0xb8;
	[tilespmem:$0x1C370] =	vst v63  }
0x62: {  	s23 =	simm.s32 $0x100  }
0x63: {  	[tilespmem:s22], [sflag:$0x3] =	stream.indirect.gather [hbm4b:s5+s18], $0x40, s23, s18, $0xb8;
	[tilespmem:$0x1C370] =	vst v63  }
0x64: {  	s21 =	simm.s32 $0x180  }
0x65: {  	[tilespmem:s24], [sflag:$0x4] =	stream.indirect.gather [hbm4b:s5+s18], $0x40, s21, s18, $0xb8;
	[tilespmem:$0x1C370] =	vst v63  }
0x66: {  	_ =	swait.ge [sflag:s25], $0x2000  }
0x67: {  	[sflag:s25] =	ssyncset.done $0x0  }
0x68: {  	s23 =	simm.s32 $0x5000;
	[sflag:s25] =	ssyncadd.s32 $0xFFFFE000  }
0x69: {  	[spmem:s2] =	stream.indirect.scatter.add.f32 [tilespmem:s19], [sflag:$0x5], $0x40, s23, s18, $0xb8;
	[tilespmem:$0x1C370] =	vst v63  }
0x6a: {  	_ =	swait.ge [sflag:s15], $0x2000  }
0x6b: {  	[sflag:s15] =	ssyncset.done $0x0  }
0x6c: {  	[sflag:s15] =	ssyncadd.s32 $0xFFFFE000  }
0x6d: {  	[spmem:s3] =	stream.indirect.scatter.add.f32 [tilespmem:s26], [sflag:$0x5], $0x1, s23, s18, $0xb8;
	[tilespmem:$0x1C370] =	vst v63  }
0x6e: {  	_ =	swait.ge [sflag:s15], $0x80  }
0x6f: {  	[sflag:s15] =	ssyncset.done $0x0  }
0x70: {  	s6 =	simm.s32 $0x200;
	[sflag:s15] =	ssyncadd.s32 $0xFFFFFF80  }
0x71: {  	[tilespmem:s19], [sflag:$0x1] =	stream.indirect.gather [hbm4b:s5+s18], $0x40, s6, s18, $0xb8;
	[tilespmem:$0x1C370] =	vst v63  }
0x72: {  	_ =	swait.ge [sflag:s28], $0x2000  }
0x73: {  	[sflag:s28] =	ssyncset.done $0x0  }
0x74: {  	s23 =	simm.s32 $0x5080;
	[sflag:s28] =	ssyncadd.s32 $0xFFFFE000  }
0x75: {  	[spmem:s2] =	stream.indirect.scatter.add.f32 [tilespmem:s20], [sflag:$0x5], $0x40, s23, s18, $0xb8;
	[tilespmem:$0x1C370] =	vst v63  }
0x76: {  	_ =	swait.ge [sflag:s15], $0x2000  }
0x77: {  	[sflag:s15] =	ssyncset.done $0x0  }
0x78: {  	[sflag:s15] =	ssyncadd.s32 $0xFFFFE000  }
0x79: {  	[spmem:s3] =	stream.indirect.scatter.add.f32 [tilespmem:s26], [sflag:$0x5], $0x1, s23, s18, $0xb8;
	[tilespmem:$0x1C370] =	vst v63  }
0x7a: {  	_ =	swait.ge [sflag:s15], $0x80  }
0x7b: {  	[sflag:s15] =	ssyncset.done $0x0  }
0x7c: {  	s6 =	simm.s32 $0x280;
	[sflag:s15] =	ssyncadd.s32 $0xFFFFFF80  }
0x7d: {  	[tilespmem:s20], [sflag:$0x2] =	stream.indirect.gather [hbm4b:s5+s18], $0x40, s6, s18, $0xb8;
	[tilespmem:$0x1C370] =	vst v63  }
0x7e: {  	_ =	swait.ge [sflag:s29], $0x2000  }
0x7f: {  	[sflag:s29] =	ssyncset.done $0x0  }
0x80: {  	s23 =	simm.s32 $0x5100;
	[sflag:s29] =	ssyncadd.s32 $0xFFFFE000  }
0x81: {  	[spmem:s2] =	stream.indirect.scatter.add.f32 [tilespmem:s22], [sflag:$0x5], $0x40, s23, s18, $0xb8;
	[tilespmem:$0x1C370] =	vst v63  }
0x82: {  	_ =	swait.ge [sflag:s15], $0x2000  }
0x83: {  	[sflag:s15] =	ssyncset.done $0x0  }
0x84: {  	[sflag:s15] =	ssyncadd.s32 $0xFFFFE000  }
0x85: {  	[spmem:s3] =	stream.indirect.scatter.add.f32 [tilespmem:s26], [sflag:$0x5], $0x1, s23, s18, $0xb8;
	[tilespmem:$0x1C370] =	vst v63  }
0x86: {  	_ =	swait.ge [sflag:s15], $0x80  }
0x87: {  	[sflag:s15] =	ssyncset.done $0x0  }
0x88: {  	s6 =	simm.s32 $0x300;
	[sflag:s15] =	ssyncadd.s32 $0xFFFFFF80  }
0x89: {  	[tilespmem:s22], [sflag:$0x3] =	stream.indirect.gather [hbm4b:s5+s18], $0x40, s6, s18, $0xb8;
	[tilespmem:$0x1C370] =	vst v63  }
0x8a: {  	_ =	swait.ge [sflag:s30], $0x2000  }
0x8b: {  	[sflag:s30] =	ssyncset.done $0x0  }
0x8c: {  	s23 =	simm.s32 $0x5180;
	[sflag:s30] =	ssyncadd.s32 $0xFFFFE000  }
0x8d: {  	[spmem:s2] =	stream.indirect.scatter.add.f32 [tilespmem:s24], [sflag:$0x5], $0x40, s23, s18, $0xb8;
	[tilespmem:$0x1C370] =	vst v63  }
0x8e: {  	_ =	swait.ge [sflag:s15], $0x2000  }
0x8f: {  	[sflag:s15] =	ssyncset.done $0x0  }
0x90: {  	[sflag:s15] =	ssyncadd.s32 $0xFFFFE000  }
0x91: {  	[spmem:s3] =	stream.indirect.scatter.add.f32 [tilespmem:s26], [sflag:$0x5], $0x1, s23, s18, $0xb8;
	[tilespmem:$0x1C370] =	vst v63  }
0x92: {  	_ =	swait.ge [sflag:s15], $0x80  }
0x93: {  	[sflag:s15] =	ssyncset.done $0x0  }
0x94: {  	s21 =	simm.s32 $0x800;
	s23 =	simm.s32 $0x380;
	[sflag:s15] =	ssyncadd.s32 $0xFFFFFF80  }
.LBB2_3:
0x95: {  	[tilespmem:s24], [sflag:$0x4] =	stream.indirect.gather [hbm4b:s5+s18], $0x40, s23, s18, $0xb8;
	[tilespmem:$0x1C370] =	vst v63  }
0x96: {  	s23 =	smov.u32 s21  }
0x97: {  	p1 =	seq.s32 s21, $0x13000;
	s21 =	sadd.s32 $0x800, s21;
	_ =	swait.ge [sflag:s25], $0x2000  }
0x98: {  	s23 =	sshra.s32 s23, $0x2;
	[sflag:s25] =	ssyncset.done $0x0  }
0x99: {  	s6 =	sadd.s32 $0x5000, s23;
	[sflag:s25] =	ssyncadd.s32 $0xFFFFE000  }
0x9a: {  	[spmem:s2] =	stream.indirect.scatter.add.f32 [tilespmem:s19], [sflag:$0x5], $0x40, s6, s18, $0xb8;
	[tilespmem:$0x1C370] =	vst v63  }
0x9b: {  	_ =	swait.ge [sflag:s15], $0x2000  }
0x9c: {  	[sflag:s15] =	ssyncset.done $0x0  }
0x9d: {  	[sflag:s15] =	ssyncadd.s32 $0xFFFFE000  }
0x9e: {  	[spmem:s3] =	stream.indirect.scatter.add.f32 [tilespmem:s26], [sflag:$0x5], $0x1, s6, s18, $0xb8;
	[tilespmem:$0x1C370] =	vst v63  }
0x9f: {  	_ =	swait.ge [sflag:s15], $0x80  }
0xa0: {  	[sflag:s15] =	ssyncset.done $0x0  }
0xa1: {  	s6 =	sadd.s32 $0x200, s23;
	[sflag:s15] =	ssyncadd.s32 $0xFFFFFF80  }
0xa2: {  	[tilespmem:s19], [sflag:$0x1] =	stream.indirect.gather [hbm4b:s5+s18], $0x40, s6, s18, $0xb8;
	[tilespmem:$0x1C370] =	vst v63  }
0xa3: {  	_ =	swait.ge [sflag:s28], $0x2000  }
0xa4: {  	[sflag:s28] =	ssyncset.done $0x0  }
0xa5: {  	s6 =	sadd.s32 $0x5080, s23;
	[sflag:s28] =	ssyncadd.s32 $0xFFFFE000  }
0xa6: {  	[spmem:s2] =	stream.indirect.scatter.add.f32 [tilespmem:s20], [sflag:$0x5], $0x40, s6, s18, $0xb8;
	[tilespmem:$0x1C370] =	vst v63  }
0xa7: {  	_ =	swait.ge [sflag:s15], $0x2000  }
0xa8: {  	[sflag:s15] =	ssyncset.done $0x0  }
0xa9: {  	[sflag:s15] =	ssyncadd.s32 $0xFFFFE000  }
0xaa: {  	[spmem:s3] =	stream.indirect.scatter.add.f32 [tilespmem:s26], [sflag:$0x5], $0x1, s6, s18, $0xb8;
	[tilespmem:$0x1C370] =	vst v63  }
0xab: {  	_ =	swait.ge [sflag:s15], $0x80  }
0xac: {  	[sflag:s15] =	ssyncset.done $0x0  }
0xad: {  	s6 =	sadd.s32 $0x280, s23;
	[sflag:s15] =	ssyncadd.s32 $0xFFFFFF80  }
0xae: {  	[tilespmem:s20], [sflag:$0x2] =	stream.indirect.gather [hbm4b:s5+s18], $0x40, s6, s18, $0xb8;
	[tilespmem:$0x1C370] =	vst v63  }
0xaf: {  	_ =	swait.ge [sflag:s29], $0x2000  }
0xb0: {  	[sflag:s29] =	ssyncset.done $0x0  }
0xb1: {  	s6 =	sadd.s32 $0x5100, s23;
	[sflag:s29] =	ssyncadd.s32 $0xFFFFE000  }
0xb2: {  	[spmem:s2] =	stream.indirect.scatter.add.f32 [tilespmem:s22], [sflag:$0x5], $0x40, s6, s18, $0xb8;
	[tilespmem:$0x1C370] =	vst v63  }
0xb3: {  	_ =	swait.ge [sflag:s15], $0x2000  }
0xb4: {  	[sflag:s15] =	ssyncset.done $0x0  }
0xb5: {  	[sflag:s15] =	ssyncadd.s32 $0xFFFFE000  }
0xb6: {  	[spmem:s3] =	stream.indirect.scatter.add.f32 [tilespmem:s26], [sflag:$0x5], $0x1, s6, s18, $0xb8;
	[tilespmem:$0x1C370] =	vst v63  }
0xb7: {  	_ =	swait.ge [sflag:s15], $0x80  }
0xb8: {  	[sflag:s15] =	ssyncset.done $0x0  }
0xb9: {  	s6 =	sadd.s32 $0x300, s23;
	[sflag:s15] =	ssyncadd.s32 $0xFFFFFF80  }
0xba: {  	[tilespmem:s22], [sflag:$0x3] =	stream.indirect.gather [hbm4b:s5+s18], $0x40, s6, s18, $0xb8;
	[tilespmem:$0x1C370] =	vst v63  }
0xbb: {  	_ =	swait.ge [sflag:s30], $0x2000  }
0xbc: {  	[sflag:s30] =	ssyncset.done $0x0  }
0xbd: {  	s6 =	sadd.s32 $0x5180, s23;
	[sflag:s30] =	ssyncadd.s32 $0xFFFFE000  }
0xbe: {  	[spmem:s2] =	stream.indirect.scatter.add.f32 [tilespmem:s24], [sflag:$0x5], $0x40, s6, s18, $0xb8;
	[tilespmem:$0x1C370] =	vst v63  }
0xbf: {  	_ =	swait.ge [sflag:s15], $0x2000  }
0xc0: {  	[sflag:s15] =	ssyncset.done $0x0  }
.Ltmp3:
0xc1: {  	[sflag:s15] =	ssyncadd.s32 $0xFFFFE000;
	(pc) =	sbr.rel @!p1 .LBB2_3-.Ltmp3, $4  }
0xc2: {  	[spmem:s3] =	stream.indirect.scatter.add.f32 [tilespmem:s26], [sflag:$0x5], $0x1, s6, s18, $0xb8;
	[tilespmem:$0x1C370] =	vst v63  }
0xc3: {  	_ =	swait.ge [sflag:s15], $0x80  }
0xc4: {  	[sflag:s15] =	ssyncset.done $0x0  }
0xc5: {  	s23 =	sadd.s32 $0x380, s23;
	[sflag:s15] =	ssyncadd.s32 $0xFFFFFF80  }
0xc6: {  	[tilespmem:s24], [sflag:$0x4] =	stream.indirect.gather [hbm4b:s5+s18], $0x40, s23, s18, $0xb8;
	[tilespmem:$0x1C370] =	vst v63  }
0xc7: {  	_ =	swait.ge [sflag:s25], $0x2000  }
0xc8: {  	[sflag:s25] =	ssyncset.done $0x0  }
0xc9: {  	[sflag:s25] =	ssyncadd.s32 $0xFFFFE000  }
0xca: {  	[spmem:s2] =	stream.indirect.scatter.add.f32 [tilespmem:s19], [sflag:$0x5], $0x40, s31, s18, $0xb8;
	[tilespmem:$0x1C370] =	vst v63  }
0xcb: {  	_ =	swait.ge [sflag:s15], $0x2000  }
0xcc: {  	[sflag:s15] =	ssyncset.done $0x0  }
0xcd: {  	[sflag:s15] =	ssyncadd.s32 $0xFFFFE000  }
0xce: {  	[spmem:s3] =	stream.indirect.scatter.add.f32 [tilespmem:s26], [sflag:$0x5], $0x1, s31, s18, $0xb8;
	[tilespmem:$0x1C370] =	vst v63  }
0xcf: {  	_ =	swait.ge [sflag:s15], $0x80  }
0xd0: {  	[sflag:s15] =	ssyncset.done $0x0  }
0xd1: {  	[sflag:s15] =	ssyncadd.s32 $0xFFFFFF80  }
0xd2: {  	_ =	swait.ge [sflag:s28], $0x2000  }
0xd3: {  	[sflag:s28] =	ssyncset.done $0x0  }
0xd4: {  	[sflag:s28] =	ssyncadd.s32 $0xFFFFE000  }
0xd5: {  	[spmem:s2] =	stream.indirect.scatter.add.f32 [tilespmem:s20], [sflag:$0x5], $0x40, s0, s18, $0xb8;
	[tilespmem:$0x1C370] =	vst v63  }
0xd6: {  	_ =	swait.ge [sflag:s15], $0x2000  }
0xd7: {  	[sflag:s15] =	ssyncset.done $0x0  }
0xd8: {  	[sflag:s15] =	ssyncadd.s32 $0xFFFFE000  }
0xd9: {  	[spmem:s3] =	stream.indirect.scatter.add.f32 [tilespmem:s26], [sflag:$0x5], $0x1, s0, s18, $0xb8;
	[tilespmem:$0x1C370] =	vst v63  }
0xda: {  	_ =	swait.ge [sflag:s15], $0x80  }
0xdb: {  	[sflag:s15] =	ssyncset.done $0x0  }
0xdc: {  	[sflag:s15] =	ssyncadd.s32 $0xFFFFFF80  }
0xdd: {  	_ =	swait.ge [sflag:s29], $0x2000  }
0xde: {  	[sflag:s29] =	ssyncset.done $0x0  }
0xdf: {  	[sflag:s29] =	ssyncadd.s32 $0xFFFFE000  }
0xe0: {  	[spmem:s2] =	stream.indirect.scatter.add.f32 [tilespmem:s22], [sflag:$0x5], $0x40, s1, s18, $0xb8;
	[tilespmem:$0x1C370] =	vst v63  }
0xe1: {  	_ =	swait.ge [sflag:s15], $0x2000  }
0xe2: {  	[sflag:s15] =	ssyncset.done $0x0  }
0xe3: {  	[sflag:s15] =	ssyncadd.s32 $0xFFFFE000  }
0xe4: {  	[spmem:s3] =	stream.indirect.scatter.add.f32 [tilespmem:s26], [sflag:$0x5], $0x1, s1, s18, $0xb8;
	[tilespmem:$0x1C370] =	vst v63  }
0xe5: {  	_ =	swait.ge [sflag:s15], $0x80  }
0xe6: {  	[sflag:s15] =	ssyncset.done $0x0  }
0xe7: {  	[sflag:s15] =	ssyncadd.s32 $0xFFFFFF80  }
0xe8: {  	_ =	swait.ge [sflag:s30], $0x2000  }
0xe9: {  	[sflag:s30] =	ssyncset.done $0x0  }
0xea: {  	[sflag:s30] =	ssyncadd.s32 $0xFFFFE000  }
0xeb: {  	[spmem:s2] =	stream.indirect.scatter.add.f32 [tilespmem:s24], [sflag:$0x5], $0x40, s4, s18, $0xb8;
	[tilespmem:$0x1C370] =	vst v63  }
0xec: {  	_ =	swait.ge [sflag:s15], $0x2000  }
0xed: {  	[sflag:s15] =	ssyncset.done $0x0  }
0xee: {  	[sflag:s15] =	ssyncadd.s32 $0xFFFFE000  }
0xef: {  	[spmem:s3] =	stream.indirect.scatter.add.f32 [tilespmem:s26], [sflag:$0x5], $0x1, s4, s18, $0xb8;
	[tilespmem:$0x1C370] =	vst v63  }
0xf0: {  	_ =	swait.ge [sflag:s15], $0x80  }
0xf1: {  	[sflag:s15] =	ssyncset.done $0x0  }
0xf2: {  	[sflag:s15] =	ssyncadd.s32 $0xFFFFFF80  }
0xf3: {  	[bflag:$0x0] =	sbarrier.arrive $0xFFFF  }
0xf4: {  	[hbm:s10], [sflag:s13] =	dma.local [spmem:s14], $0x13C0  }
0xf5: {  	_ =	swait.ge [sflag:s15], $0x13C0  }
0xf6: {  	[sflag:s15] =	ssyncset.done $0x0  }
0xf7: {  	[sflag:s15] =	ssyncadd.s32 $0xFFFFEC40  }
0xf8: {  	[tilespmem:s16], [sflag:$0x5] =	stream.linear.gather [spmem:s7], $0x278, $0x38;
	[tilespmem:$0x1C370] =	vst v63  }
0xf9: {  	_ =	swait.ge [sflag:s15], $0x278  }
0xfa: {  	[sflag:s15] =	ssyncset.done $0x0  }
.Ltmp4:
0xfb: {  	s6 =	simm.s32 $0x0;
	[sflag:s15] =	ssyncadd.s32 $0xFFFFFD88;
	(pc) =	sbr.rel .LBB2_5-.Ltmp4, $4  }
0xfc: {  	[hbm4b:s11+s6] =	stream.linear.scatter [tilespmem:s16], [sflag:$0x5], $0x278, $0x38;
	[tilespmem:$0x1C370] =	vst v63  }
0xfd: {  	_ =	swait.ge [sflag:s15], $0x278  }
0xfe: {  	[sflag:s15] =	ssyncset.done $0x0  }
0xff: {  	[sflag:s15] =	ssyncadd.s32 $0xFFFFFD88  }
.LBB2_6:
0x100: {  	_ =	sfence.sel $0x180000  }
0x101: {  	[bflag:$0x0] =	sbarrier.arrive $0xFFFF  }
0x102: {  	_ =	strace $0x90000047  }
0x103: {  	s0 =	stileid.u32;
	[bflag:$0x2] =	sbarrier.arrive $0xFFFF  }
0x104: {  	p0 =	sne.s32 s0, $0x0;
	s0 =	rddreg [dreg:$0x4]  }
0x105: {  	s0 =	sadd.s32 @!p0 $0x100000, s0  }
0x106: {  	[sflag:s0] =	ssyncadd.tile.s32 @!p0 $0x1;
	_ =	shalt  }
.Lfunc_end2:
_tile_overlayer_lowered:
.L_overlay_start_2:
0x107: {  	(tag) =	ssettag $0x2  }
0x108: {  	s0 =	rddreg [dreg:$0x0];
	s2 =	stileid.u32  }
0x109: {  	s1 =	rddreg [dreg:$0x1];
	p0 =	sne.s32 s2, $0x0  }
0x10a: {  	s3 =	rddreg [dreg:$0x2];
	[bflag:$0x3] =	sbarrier.arrive $0xFFFF;
	s2 =	simm.s32 @!p0 $0x1C05  }
0x10b: {  	[timem:s3], [sflag:s2] =	dma.local @!p0 [hbm:s0], s1  }
0x10c: {  	s0 =	simm.s32 @!p0 $0x5  }
0x10d: {  	_ =	swait.ge @!p0 [sflag:s0], s1  }
0x10e: {  	s1 =	ssub.s32 @!p0 $0x0, s1;
	[sflag:s0] =	ssyncset.done @!p0 $0x0  }
0x10f: {  	[sflag:s0] =	ssyncadd.s32 @!p0 s1  }
0x110: {  	[bflag:$0x3] =	sbarrier.arrive $0xFFFF  }
0x111: {  	_ =	shalt  }

</sc_bundles>
